<compile_context>
chip_gen: v7x
topology: tpu7x:2x2x1
jax: 0.10.2.dev20260603
libtpu: 0.0.44.dev20260713+nightly
codegen_flags: <defaults>
</compile_context>

<pallas_src>
import functools

import jax
import jax.numpy as jnp
from jax import lax
from jax.experimental import pallas as pl
from jax.experimental.pallas import tpu as pltpu
from jax.experimental.pallas import tpu_sc as plsc

_B = 16384
_D = 16
_CB = 4096
_V = 100000
_NC = _B // _CB


def _sc_gather(xt, e0t, e1t, e2t):
    info = plsc.get_sparse_core_info()
    nc = info.num_cores
    mesh = plsc.VectorSubcoreMesh(core_axis_name="c", subcore_axis_name="s")

    @functools.partial(
        pl.kernel,
        mesh=mesh,
        compiler_params=pltpu.CompilerParams(needs_layout_passes=False),
        out_type=jax.ShapeDtypeStruct((3, _D, _B), jnp.float32),
        scratch_types=[
            pltpu.VMEM((1, _V), jnp.float32),
            pltpu.VMEM((1, _CB), jnp.int32),
            pltpu.VMEM((1, _CB), jnp.int32),
            pltpu.VMEM((1, _CB), jnp.float32),
            pltpu.VMEM((1, _CB), jnp.float32),
            pltpu.SemaphoreType.DMA,
            pltpu.SemaphoreType.DMA,
            pltpu.SemaphoreType.DMA,
            pltpu.SemaphoreType.DMA,
        ],
    )
    def k(xt_hbm, t0, t1, t2, out_hbm, row_v, idx_a, idx_b, out_a, out_b,
          si_a, si_b, so_a, so_b):
        wid = lax.axis_index("s") * nc + lax.axis_index("c")
        tabs = (t0, t1, t2)
        idxs, outs = (idx_a, idx_b), (out_a, out_b)
        sis, sos = (si_a, si_b), (so_a, so_b)
        zero16 = lax.iota(jnp.int32, 16) * 0

        def run_job(t, f, c0, nch):
            fetch = pltpu.async_copy(
                xt_hbm.at[pl.ds(t, 1), pl.ds(c0 * _CB, _CB)], idxs[0],
                sis[0])
            pltpu.sync_copy(tabs[t].at[pl.ds(f, 1)], row_v)
            flushes = [None, None]
            for i in range(nch):
                c = c0 + i
                fetch.wait()
                if i + 1 < nch:
                    fetch = pltpu.async_copy(
                        xt_hbm.at[pl.ds(t, 1),
                                  pl.ds((c + 1) * _CB, _CB)],
                        idxs[(i + 1) % 2], sis[(i + 1) % 2])
                if flushes[i % 2] is not None:
                    flushes[i % 2].wait()
                iv, ov = idxs[i % 2], outs[i % 2]

                def group(g, _, iv=iv, ov=ov):
                    vals = plsc.load_gather(
                        row_v, [zero16, iv[0, pl.ds(g * 16, 16)]])
                    ov[0, pl.ds(g * 16, 16)] = vals
                    return 0

                lax.fori_loop(0, _CB // 16, group, 0)
                flushes[i % 2] = pltpu.async_copy(
                    ov, out_hbm.at[t, pl.ds(f, 1), pl.ds(c * _CB, _CB)],
                    sos[i % 2])
            for fl in flushes:
                if fl is not None:
                    fl.wait()

        @pl.when(wid < _D)
        def _():
            run_job(0, wid, 0, _NC)

        @pl.when(wid >= _D)
        def _():
            run_job(1, wid - _D, 0, _NC)

        @pl.when(wid % 2 == 0)
        def _():
            run_job(2, wid >> 1, 0, _NC // 2)

        @pl.when(wid % 2 == 1)
        def _():
            run_job(2, wid >> 1, _NC // 2, _NC // 2)

    return k(xt, e0t, e1t, e2t)


def _mlp(xct, emb, w1t, b1, w2t, b2, w3t, wst, b3, bs):
    blk = 8192

    def body(xc_ref, e_ref, w1t_ref, b1_ref, w2t_ref, b2_ref, w3t_ref,
             wst_ref, b3_ref, bs_ref, o_ref):
        dn = (((1,), (0,)), ((), ()))
        h = lax.dot_general(w1t_ref[:, 0:7], xc_ref[...], dn,
                            preferred_element_type=jnp.float32)
        for t in range(3):
            h = h + lax.dot_general(
                w1t_ref[:, 7 + _D * t:7 + _D * (t + 1)], e_ref[t], dn,
                preferred_element_type=jnp.float32)
        h = jnp.maximum(h + b1_ref[...][:, None], 0.0)
        h = jnp.maximum(
            lax.dot_general(w2t_ref[...], h, dn,
                            preferred_element_type=jnp.float32)
            + b2_ref[...][:, None], 0.0)
        wh = jnp.concatenate(
            [w3t_ref[...], wst_ref[...],
             jnp.zeros((6, 100), jnp.float32)], axis=0)
        bh = jnp.concatenate(
            [b3_ref[...], bs_ref[...], jnp.zeros((6,), jnp.float32)])
        o_ref[...] = jnp.maximum(
            lax.dot_general(wh, h, dn, preferred_element_type=jnp.float32)
            + bh[:, None], 0.0)

    return pl.pallas_call(
        body,
        grid=(_B // blk,),
        in_specs=[
            pl.BlockSpec((7, blk), lambda i: (0, i)),
            pl.BlockSpec((3, _D, blk), lambda i: (0, 0, i)),
            pl.BlockSpec((100, 55), lambda i: (0, 0)),
            pl.BlockSpec((100,), lambda i: (0,)),
            pl.BlockSpec((100, 100), lambda i: (0, 0)),
            pl.BlockSpec((100,), lambda i: (0,)),
            pl.BlockSpec((1, 100), lambda i: (0, 0)),
            pl.BlockSpec((1, 100), lambda i: (0, 0)),
            pl.BlockSpec((1,), lambda i: (0,)),
            pl.BlockSpec((1,), lambda i: (0,)),
        ],
        out_specs=pl.BlockSpec((8, blk), lambda i: (0, i)),
        out_shape=jax.ShapeDtypeStruct((8, _B), jnp.float32),
    )(xct, emb, w1t, b1, w2t, b2, w3t, wst, b3, bs)


def kernel(x_cat, x_cont, E0, E1, E2, W1, b1, W2, b2, W3, b3, Ws, bs):
    xt = x_cat.astype(jnp.int32).T
    emb = _sc_gather(xt, E0.T[:, :_V], E1.T, E2.T)
    out = _mlp(x_cont.T, emb, W1.T, b1, W2.T, b2, W3.T, Ws.T, b3, bs)
    return (out[0].reshape(_B, 1), out[1].reshape(_B, 1))

# --- scband reference (transcript-rebuilt; emitter-appended) ---
"""Pipeline reference for scband-osicmodel-53850299957532 (READ-ONLY COPY).

The authoritative reference and input builder live on the scoring server;
editing this copy changes nothing except your own understanding.
"""

import jax, jax.numpy as jnp
import numpy as np

B = 16384
VOCABS = [1000000, 100000, 100000]
EMB_DIM = 16


def setup_inputs(seed: int = 0) -> dict:
    key = jax.random.key(seed)
    ks = jax.random.split(key, 16)
    x_cat = jax.random.randint(ks[0], (B, 3), 0, 100000)
    x_cont = jax.random.normal(ks[1], (B, 7), dtype=jnp.float32)
    E0 = jax.random.normal(ks[2], (VOCABS[0], EMB_DIM), dtype=jnp.float32) * 0.01
    E1 = jax.random.normal(ks[3], (VOCABS[1], EMB_DIM), dtype=jnp.float32) * 0.01
    E2 = jax.random.normal(ks[4], (VOCABS[2], EMB_DIM), dtype=jnp.float32) * 0.01
    W1 = jax.random.normal(ks[5], (55, 100), dtype=jnp.float32) * 0.05
    b1 = jnp.zeros((100,), dtype=jnp.float32)
    W2 = jax.random.normal(ks[6], (100, 100), dtype=jnp.float32) * 0.05
    b2 = jnp.zeros((100,), dtype=jnp.float32)
    W3 = jax.random.normal(ks[7], (100, 1), dtype=jnp.float32) * 0.05
    b3 = jnp.zeros((1,), dtype=jnp.float32)
    Ws = jax.random.normal(ks[8], (100, 1), dtype=jnp.float32) * 0.05
    bs = jnp.zeros((1,), dtype=jnp.float32)
    return {"x_cat": x_cat, "x_cont": x_cont, "E0": E0, "E1": E1, "E2": E2,
            "W1": W1, "b1": b1, "W2": W2, "b2": b2, "W3": W3, "b3": b3,
            "Ws": Ws, "bs": bs}


def reference(x_cat, x_cont, E0, E1, E2, W1, b1, W2, b2, W3, b3, Ws, bs):
    # embedding lookups (one per categorical field), then concat
    e0 = jnp.take(E0, x_cat[:, 0], axis=0)
    e1 = jnp.take(E1, x_cat[:, 1], axis=0)
    e2 = jnp.take(E2, x_cat[:, 2], axis=0)
    emb = jnp.concatenate([e0, e1, e2], axis=1)
    out = jnp.concatenate([x_cont, emb], axis=1)
    out = jax.nn.relu(out @ W1 + b1)
    out = jax.nn.relu(out @ W2 + b2)
    fvc = jax.nn.relu(out @ W3 + b3)
    sigma = jax.nn.relu(out @ Ws + bs)
    return (fvc, sigma)

if __name__ == "__main__":
    import jax
    _d = setup_inputs()
    print(jax.jit(kernel)(*tuple(_d.values())))

</pallas_src>

<mosaic_0001>
#map = affine_map<(d0, d1) -> (0, 0)>
#map1 = affine_map<(d0, d1) -> (0, 0, 0)>
module attributes {stable_mosaic.version = 14 : i64} {
  func.func @k(%arg0: i32, %arg1: i32, %arg2: memref<3x16384xi32, #tpu.memory_space<hbm>>, %arg3: memref<16x100000xf32, #tpu.memory_space<hbm>>, %arg4: memref<16x100000xf32, #tpu.memory_space<hbm>>, %arg5: memref<16x100000xf32, #tpu.memory_space<hbm>>, %arg6: memref<3x16x16384xf32, #tpu.memory_space<hbm>>, %arg7: memref<1x100000xf32, #tpu.memory_space<vmem>>, %arg8: memref<1x4096xi32, #tpu.memory_space<vmem>>, %arg9: memref<1x4096xi32, #tpu.memory_space<vmem>>, %arg10: memref<1x4096xf32, #tpu.memory_space<vmem>>, %arg11: memref<1x4096xf32, #tpu.memory_space<vmem>>, %arg12: memref<!tpu.dma_semaphore, #tpu.memory_space<semaphore_mem>>, %arg13: memref<!tpu.dma_semaphore, #tpu.memory_space<semaphore_mem>>, %arg14: memref<!tpu.dma_semaphore, #tpu.memory_space<semaphore_mem>>, %arg15: memref<!tpu.dma_semaphore, #tpu.memory_space<semaphore_mem>>) attributes {dimension_semantics = [#tpu.dimension_semantics<core_parallel>, #tpu.dimension_semantics<subcore_parallel>], iteration_bounds = array<i64: 2, 16>, scalar_prefetch = 0 : i64, scratch_operands = 9 : i64, tpu.core_type = #tpu.core_type<sc_vector_subcore>, window_params = [{transform_indices = #map}, {transform_indices = #map}, {transform_indices = #map}, {transform_indices = #map}, {transform_indices = #map1}]} {
    %mul3A = arith.constant 2 : i32
    %mul3A_0 = arith.muli %arg1, %mul3A : i32
    %add3A = arith.addi %mul3A_0, %arg0 : i32
    %iota3A = tpu.iota {dimensions = array<i32: 0>} : vector<16xi32>
    %mul3A_1 = arith.constant 0 : i32
    %mul3A_2 = vector.broadcast %mul3A_1 : i32 to vector<16xi32>
    %mul3A_3 = arith.muli %iota3A, %mul3A_2 : vector<16xi32>
    %lt3A = arith.constant 16 : i32
    %lt3A_4 = arith.cmpi slt, %add3A, %lt3A : i32
    %convert_element_type3A = arith.extui %lt3A_4 : i1 to i32
    %cond3A = arith.constant 0 : i32
    %cond3A_5 = arith.cmpi ne, %convert_element_type3A, %cond3A : i32
    scf.if %cond3A_5 {
      %dma_start3A = arith.constant 0 : i32
      %dma_start3A_46 = arith.constant 0 : i32
      %dma_start3A_47 = tpu.memref_slice %arg2[%dma_start3A, %dma_start3A_46] : memref<3x16384xi32, #tpu.memory_space<hbm>> -> memref<1x4096xi32, #tpu.memory_space<hbm>>
      %dma_start3A_48 = arith.constant 0 : i32
      %dma_start3A_49 = arith.constant 0 : i32
      %dma_start3A_50 = tpu.memref_slice %arg2[%dma_start3A_48, %dma_start3A_49] : memref<3x16384xi32, #tpu.memory_space<hbm>> -> memref<1x4096xi32, #tpu.memory_space<hbm>>
      tpu.enqueue_dma source(%dma_start3A_50 : memref<1x4096xi32, #tpu.memory_space<hbm>>) target(%arg8 : memref<1x4096xi32, #tpu.memory_space<vmem>>) target_semaphore(%arg12 : memref<!tpu.dma_semaphore, #tpu.memory_space<semaphore_mem>>)
      "tpu.region"() ({
        %run_scoped3A = tpu.sem_alloc : memref<!tpu.dma_semaphore, #tpu.memory_space<semaphore_mem>>
        %dma_start3A_175 = arith.constant 0 : i32
        %dma_start3A_176 = tpu.memref_slice %arg3[%add3A, %dma_start3A_175] : memref<16x100000xf32, #tpu.memory_space<hbm>> -> memref<1x100000xf32, #tpu.memory_space<hbm>>
        %dma_start3A_177 = arith.constant 0 : i32
        %dma_start3A_178 = tpu.memref_slice %arg3[%add3A, %dma_start3A_177] : memref<16x100000xf32, #tpu.memory_space<hbm>> -> memref<1x100000xf32, #tpu.memory_space<hbm>>
        tpu.enqueue_dma source(%dma_start3A_178 : memref<1x100000xf32, #tpu.memory_space<hbm>>) target(%arg7 : memref<1x100000xf32, #tpu.memory_space<vmem>>) target_semaphore(%run_scoped3A : memref<!tpu.dma_semaphore, #tpu.memory_space<semaphore_mem>>)
        %dma_wait3A_179 = arith.constant 0 : i32
        %dma_wait3A_180 = tpu.memref_slice %arg3[%add3A, %dma_wait3A_179] : memref<16x100000xf32, #tpu.memory_space<hbm>> -> memref<1x100000xf32, #tpu.memory_space<hbm>>
        %dma_wait3A_181 = arith.constant 0 : i32
        %dma_wait3A_182 = tpu.memref_slice %arg3[%add3A, %dma_wait3A_181] : memref<16x100000xf32, #tpu.memory_space<hbm>> -> memref<1x100000xf32, #tpu.memory_space<hbm>>
        tpu.wait_dma2 semaphore(%run_scoped3A : memref<!tpu.dma_semaphore, #tpu.memory_space<semaphore_mem>>) src(%dma_wait3A_182 : memref<1x100000xf32, #tpu.memory_space<hbm>>) dst(%arg7 : memref<1x100000xf32, #tpu.memory_space<vmem>>)
        tpu.yield
      }) : () -> ()
      %dma_wait3A = arith.constant 0 : i32
      %dma_wait3A_51 = arith.constant 0 : i32
      %dma_wait3A_52 = tpu.memref_slice %arg2[%dma_wait3A, %dma_wait3A_51] : memref<3x16384xi32, #tpu.memory_space<hbm>> -> memref<1x4096xi32, #tpu.memory_space<hbm>>
      %dma_wait3A_53 = arith.constant 0 : i32
      %dma_wait3A_54 = arith.constant 0 : i32
      %dma_wait3A_55 = tpu.memref_slice %arg2[%dma_wait3A_53, %dma_wait3A_54] : memref<3x16384xi32, #tpu.memory_space<hbm>> -> memref<1x4096xi32, #tpu.memory_space<hbm>>
      tpu.wait_dma2 semaphore(%arg12 : memref<!tpu.dma_semaphore, #tpu.memory_space<semaphore_mem>>) src(%dma_wait3A_55 : memref<1x4096xi32, #tpu.memory_space<hbm>>) dst(%arg8 : memref<1x4096xi32, #tpu.memory_space<vmem>>)
      %dma_start3A_56 = arith.constant 0 : i32
      %dma_start3A_57 = arith.constant 4096 : i32
      %dma_start3A_58 = tpu.memref_slice %arg2[%dma_start3A_56, %dma_start3A_57] : memref<3x16384xi32, #tpu.memory_space<hbm>> -> memref<1x4096xi32, #tpu.memory_space<hbm>>
      %dma_start3A_59 = arith.constant 0 : i32
      %dma_start3A_60 = arith.constant 4096 : i32
      %dma_start3A_61 = tpu.memref_slice %arg2[%dma_start3A_59, %dma_start3A_60] : memref<3x16384xi32, #tpu.memory_space<hbm>> -> memref<1x4096xi32, #tpu.memory_space<hbm>>
      tpu.enqueue_dma source(%dma_start3A_61 : memref<1x4096xi32, #tpu.memory_space<hbm>>) target(%arg9 : memref<1x4096xi32, #tpu.memory_space<vmem>>) target_semaphore(%arg13 : memref<!tpu.dma_semaphore, #tpu.memory_space<semaphore_mem>>)
      %scan3A = arith.constant 0 : i32
      %scan3A_62 = arith.constant 0 : i32
      %scan3A_63 = arith.constant 256 : i32
      %scan3A_64 = arith.addi %scan3A_62, %scan3A_63 : i32
      %scan3A_65 = arith.constant 1 : i32
      %scan3A_66 = scf.for %scan3A_175 = %scan3A_62 to %scan3A_64 step %scan3A_65 iter_args(%scan3A_176 = %scan3A) -> (i32)  : i32 {
        %mul3A_177 = arith.constant 16 : i32
        %mul3A_178 = arith.muli %scan3A_175, %mul3A_177 : i32
        %get3A = arith.constant 0 : i32
        %get3A_179 = arith.index_cast %get3A : i32 to index
        %get3A_180 = arith.index_cast %mul3A_178 : i32 to index
        %get3A_181 = tpu.vector_load %arg8[%get3A_179, %get3A_180] {strides = array<i32>} : memref<1x4096xi32, #tpu.memory_space<vmem>>, vector<16xi32>,
        %gather3A = tpu.vector_load_idx %arg7[%mul3A_3, %get3A_181] : memref<1x100000xf32, #tpu.memory_space<vmem>>[vector<16xi32>, vector<16xi32>], vector<16xf32>,
        %mul3A_182 = arith.constant 16 : i32
        %mul3A_183 = arith.muli %scan3A_175, %mul3A_182 : i32
        %swap3A = arith.constant 0 : i32
        %swap3A_184 = arith.index_cast %swap3A : i32 to index
        %swap3A_185 = arith.index_cast %mul3A_183 : i32 to index
        %swap3A_186 = tpu.vector_load %arg10[%swap3A_184, %swap3A_185] {strides = array<i32>} : memref<1x4096xf32, #tpu.memory_space<vmem>>, vector<16xf32>,
        tpu.vector_store %arg10[%swap3A_184, %swap3A_185], %gather3A {strides = array<i32>} : memref<1x4096xf32, #tpu.memory_space<vmem>>, vector<16xf32>,
        %scan3A_187 = arith.constant 0 : i32
        scf.yield %scan3A_187 : i32
      }
      %scan3A_67 = arith.constant 256 : i32
      %dma_start3A_68 = arith.constant 0 : i32
      %dma_start3A_69 = arith.constant 0 : i32
      %dma_start3A_70 = tpu.memref_slice %arg6[%dma_start3A_68, %add3A, %dma_start3A_69] : memref<3x16x16384xf32, #tpu.memory_space<hbm>> -> memref<1x1x4096xf32, #tpu.memory_space<hbm>>
      %dma_start3A_71 = tpu.memref_squeeze %dma_start3A_70 : memref<1x1x4096xf32, #tpu.memory_space<hbm>> -> memref<1x4096xf32, #tpu.memory_space<hbm>>
      %dma_start3A_72 = arith.constant 0 : i32
      %dma_start3A_73 = tpu.memref_slice %arg6[%dma_start3A_68, %add3A, %dma_start3A_72] : memref<3x16x16384xf32, #tpu.memory_space<hbm>> -> memref<1x1x4096xf32, #tpu.memory_space<hbm>>
      %dma_start3A_74 = tpu.memref_squeeze %dma_start3A_73 : memref<1x1x4096xf32, #tpu.memory_space<hbm>> -> memref<1x4096xf32, #tpu.memory_space<hbm>>
      tpu.enqueue_dma source(%arg10 : memref<1x4096xf32, #tpu.memory_space<vmem>>) target(%dma_start3A_74 : memref<1x4096xf32, #tpu.memory_space<hbm>>) target_semaphore(%arg14 : memref<!tpu.dma_semaphore, #tpu.memory_space<semaphore_mem>>)
      %dma_wait3A_75 = arith.constant 0 : i32
      %dma_wait3A_76 = arith.constant 4096 : i32
      %dma_wait3A_77 = tpu.memref_slice %arg2[%dma_wait3A_75, %dma_wait3A_76] : memref<3x16384xi32, #tpu.memory_space<hbm>> -> memref<1x4096xi32, #tpu.memory_space<hbm>>
      %dma_wait3A_78 = arith.constant 0 : i32
      %dma_wait3A_79 = arith.constant 4096 : i32
      %dma_wait3A_80 = tpu.memref_slice %arg2[%dma_wait3A_78, %dma_wait3A_79] : memref<3x16384xi32, #tpu.memory_space<hbm>> -> memref<1x4096xi32, #tpu.memory_space<hbm>>
      tpu.wait_dma2 semaphore(%arg13 : memref<!tpu.dma_semaphore, #tpu.memory_space<semaphore_mem>>) src(%dma_wait3A_80 : memref<1x4096xi32, #tpu.memory_space<hbm>>) dst(%arg9 : memref<1x4096xi32, #tpu.memory_space<vmem>>)
      %dma_start3A_81 = arith.constant 0 : i32
      %dma_start3A_82 = arith.constant 8192 : i32
      %dma_start3A_83 = tpu.memref_slice %arg2[%dma_start3A_81, %dma_start3A_82] : memref<3x16384xi32, #tpu.memory_space<hbm>> -> memref<1x4096xi32, #tpu.memory_space<hbm>>
      %dma_start3A_84 = arith.constant 0 : i32
      %dma_start3A_85 = arith.constant 8192 : i32
      %dma_start3A_86 = tpu.memref_slice %arg2[%dma_start3A_84, %dma_start3A_85] : memref<3x16384xi32, #tpu.memory_space<hbm>> -> memref<1x4096xi32, #tpu.memory_space<hbm>>
      tpu.enqueue_dma source(%dma_start3A_86 : memref<1x4096xi32, #tpu.memory_space<hbm>>) target(%arg8 : memref<1x4096xi32, #tpu.memory_space<vmem>>) target_semaphore(%arg12 : memref<!tpu.dma_semaphore, #tpu.memory_space<semaphore_mem>>)
      %scan3A_87 = arith.constant 0 : i32
      %scan3A_88 = arith.constant 0 : i32
      %scan3A_89 = arith.constant 256 : i32
      %scan3A_90 = arith.addi %scan3A_88, %scan3A_89 : i32
      %scan3A_91 = arith.constant 1 : i32
      %scan3A_92 = scf.for %scan3A_175 = %scan3A_88 to %scan3A_90 step %scan3A_91 iter_args(%scan3A_176 = %scan3A_87) -> (i32)  : i32 {
        %mul3A_177 = arith.constant 16 : i32
        %mul3A_178 = arith.muli %scan3A_175, %mul3A_177 : i32
        %get3A = arith.constant 0 : i32
        %get3A_179 = arith.index_cast %get3A : i32 to index
        %get3A_180 = arith.index_cast %mul3A_178 : i32 to index
        %get3A_181 = tpu.vector_load %arg9[%get3A_179, %get3A_180] {strides = array<i32>} : memref<1x4096xi32, #tpu.memory_space<vmem>>, vector<16xi32>,
        %gather3A = tpu.vector_load_idx %arg7[%mul3A_3, %get3A_181] : memref<1x100000xf32, #tpu.memory_space<vmem>>[vector<16xi32>, vector<16xi32>], vector<16xf32>,
        %mul3A_182 = arith.constant 16 : i32
        %mul3A_183 = arith.muli %scan3A_175, %mul3A_182 : i32
        %swap3A = arith.constant 0 : i32
        %swap3A_184 = arith.index_cast %swap3A : i32 to index
        %swap3A_185 = arith.index_cast %mul3A_183 : i32 to index
        %swap3A_186 = tpu.vector_load %arg11[%swap3A_184, %swap3A_185] {strides = array<i32>} : memref<1x4096xf32, #tpu.memory_space<vmem>>, vector<16xf32>,
        tpu.vector_store %arg11[%swap3A_184, %swap3A_185], %gather3A {strides = array<i32>} : memref<1x4096xf32, #tpu.memory_space<vmem>>, vector<16xf32>,
        %scan3A_187 = arith.constant 0 : i32
        scf.yield %scan3A_187 : i32
      }
      %scan3A_93 = arith.constant 256 : i32
      %dma_start3A_94 = arith.constant 0 : i32
      %dma_start3A_95 = arith.constant 4096 : i32
      %dma_start3A_96 = tpu.memref_slice %arg6[%dma_start3A_94, %add3A, %dma_start3A_95] : memref<3x16x16384xf32, #tpu.memory_space<hbm>> -> memref<1x1x4096xf32, #tpu.memory_space<hbm>>
      %dma_start3A_97 = tpu.memref_squeeze %dma_start3A_96 : memref<1x1x4096xf32, #tpu.memory_space<hbm>> -> memref<1x4096xf32, #tpu.memory_space<hbm>>
      %dma_start3A_98 = arith.constant 4096 : i32
      %dma_start3A_99 = tpu.memref_slice %arg6[%dma_start3A_94, %add3A, %dma_start3A_98] : memref<3x16x16384xf32, #tpu.memory_space<hbm>> -> memref<1x1x4096xf32, #tpu.memory_space<hbm>>
      %dma_start3A_100 = tpu.memref_squeeze %dma_start3A_99 : memref<1x1x4096xf32, #tpu.memory_space<hbm>> -> memref<1x4096xf32, #tpu.memory_space<hbm>>
      tpu.enqueue_dma source(%arg11 : memref<1x4096xf32, #tpu.memory_space<vmem>>) target(%dma_start3A_100 : memref<1x4096xf32, #tpu.memory_space<hbm>>) target_semaphore(%arg15 : memref<!tpu.dma_semaphore, #tpu.memory_space<semaphore_mem>>)
      %dma_wait3A_101 = arith.constant 0 : i32
      %dma_wait3A_102 = arith.constant 8192 : i32
      %dma_wait3A_103 = tpu.memref_slice %arg2[%dma_wait3A_101, %dma_wait3A_102] : memref<3x16384xi32, #tpu.memory_space<hbm>> -> memref<1x4096xi32, #tpu.memory_space<hbm>>
      %dma_wait3A_104 = arith.constant 0 : i32
      %dma_wait3A_105 = arith.constant 8192 : i32
      %dma_wait3A_106 = tpu.memref_slice %arg2[%dma_wait3A_104, %dma_wait3A_105] : memref<3x16384xi32, #tpu.memory_space<hbm>> -> memref<1x4096xi32, #tpu.memory_space<hbm>>
      tpu.wait_dma2 semaphore(%arg12 : memref<!tpu.dma_semaphore, #tpu.memory_space<semaphore_mem>>) src(%dma_wait3A_106 : memref<1x4096xi32, #tpu.memory_space<hbm>>) dst(%arg8 : memref<1x4096xi32, #tpu.memory_space<vmem>>)
      %dma_start3A_107 = arith.constant 0 : i32
      %dma_start3A_108 = arith.constant 12288 : i32
      %dma_start3A_109 = tpu.memref_slice %arg2[%dma_start3A_107, %dma_start3A_108] : memref<3x16384xi32, #tpu.memory_space<hbm>> -> memref<1x4096xi32, #tpu.memory_space<hbm>>
      %dma_start3A_110 = arith.constant 0 : i32
      %dma_start3A_111 = arith.constant 12288 : i32
      %dma_start3A_112 = tpu.memref_slice %arg2[%dma_start3A_110, %dma_start3A_111] : memref<3x16384xi32, #tpu.memory_space<hbm>> -> memref<1x4096xi32, #tpu.memory_space<hbm>>
      tpu.enqueue_dma source(%dma_start3A_112 : memref<1x4096xi32, #tpu.memory_space<hbm>>) target(%arg9 : memref<1x4096xi32, #tpu.memory_space<vmem>>) target_semaphore(%arg13 : memref<!tpu.dma_semaphore, #tpu.memory_space<semaphore_mem>>)
      %dma_wait3A_113 = arith.constant 0 : i32
      %dma_wait3A_114 = arith.constant 0 : i32
      %dma_wait3A_115 = tpu.memref_slice %arg6[%dma_wait3A_113, %add3A, %dma_wait3A_114] : memref<3x16x16384xf32, #tpu.memory_space<hbm>> -> memref<1x1x4096xf32, #tpu.memory_space<hbm>>
      %dma_wait3A_116 = tpu.memref_squeeze %dma_wait3A_115 : memref<1x1x4096xf32, #tpu.memory_space<hbm>> -> memref<1x4096xf32, #tpu.memory_space<hbm>>
      %dma_wait3A_117 = arith.constant 0 : i32
      %dma_wait3A_118 = tpu.memref_slice %arg6[%dma_wait3A_113, %add3A, %dma_wait3A_117] : memref<3x16x16384xf32, #tpu.memory_space<hbm>> -> memref<1x1x4096xf32, #tpu.memory_space<hbm>>
      %dma_wait3A_119 = tpu.memref_squeeze %dma_wait3A_118 : memref<1x1x4096xf32, #tpu.memory_space<hbm>> -> memref<1x4096xf32, #tpu.memory_space<hbm>>
      tpu.wait_dma2 semaphore(%arg14 : memref<!tpu.dma_semaphore, #tpu.memory_space<semaphore_mem>>) src(%arg10 : memref<1x4096xf32, #tpu.memory_space<vmem>>) dst(%dma_wait3A_119 : memref<1x4096xf32, #tpu.memory_space<hbm>>)
      %scan3A_120 = arith.constant 0 : i32
      %scan3A_121 = arith.constant 0 : i32
      %scan3A_122 = arith.constant 256 : i32
      %scan3A_123 = arith.addi %scan3A_121, %scan3A_122 : i32
      %scan3A_124 = arith.constant 1 : i32
      %scan3A_125 = scf.for %scan3A_175 = %scan3A_121 to %scan3A_123 step %scan3A_124 iter_args(%scan3A_176 = %scan3A_120) -> (i32)  : i32 {
        %mul3A_177 = arith.constant 16 : i32
        %mul3A_178 = arith.muli %scan3A_175, %mul3A_177 : i32
        %get3A = arith.constant 0 : i32
        %get3A_179 = arith.index_cast %get3A : i32 to index
        %get3A_180 = arith.index_cast %mul3A_178 : i32 to index
        %get3A_181 = tpu.vector_load %arg8[%get3A_179, %get3A_180] {strides = array<i32>} : memref<1x4096xi32, #tpu.memory_space<vmem>>, vector<16xi32>,
        %gather3A = tpu.vector_load_idx %arg7[%mul3A_3, %get3A_181] : memref<1x100000xf32, #tpu.memory_space<vmem>>[vector<16xi32>, vector<16xi32>], vector<16xf32>,
        %mul3A_182 = arith.constant 16 : i32
        %mul3A_183 = arith.muli %scan3A_175, %mul3A_182 : i32
        %swap3A = arith.constant 0 : i32
        %swap3A_184 = arith.index_cast %swap3A : i32 to index
        %swap3A_185 = arith.index_cast %mul3A_183 : i32 to index
        %swap3A_186 = tpu.vector_load %arg10[%swap3A_184, %swap3A_185] {strides = array<i32>} : memref<1x4096xf32, #tpu.memory_space<vmem>>, vector<16xf32>,
        tpu.vector_store %arg10[%swap3A_184, %swap3A_185], %gather3A {strides = array<i32>} : memref<1x4096xf32, #tpu.memory_space<vmem>>, vector<16xf32>,
        %scan3A_187 = arith.constant 0 : i32
        scf.yield %scan3A_187 : i32
      }
      %scan3A_126 = arith.constant 256 : i32
      %dma_start3A_127 = arith.constant 0 : i32
      %dma_start3A_128 = arith.constant 8192 : i32
      %dma_start3A_129 = tpu.memref_slice %arg6[%dma_start3A_127, %add3A, %dma_start3A_128] : memref<3x16x16384xf32, #tpu.memory_space<hbm>> -> memref<1x1x4096xf32, #tpu.memory_space<hbm>>
      %dma_start3A_130 = tpu.memref_squeeze %dma_start3A_129 : memref<1x1x4096xf32, #tpu.memory_space<hbm>> -> memref<1x4096xf32, #tpu.memory_space<hbm>>
      %dma_start3A_131 = arith.constant 8192 : i32
      %dma_start3A_132 = tpu.memref_slice %arg6[%dma_start3A_127, %add3A, %dma_start3A_131] : memref<3x16x16384xf32, #tpu.memory_space<hbm>> -> memref<1x1x4096xf32, #tpu.memory_space<hbm>>
      %dma_start3A_133 = tpu.memref_squeeze %dma_start3A_132 : memref<1x1x4096xf32, #tpu.memory_space<hbm>> -> memref<1x4096xf32, #tpu.memory_space<hbm>>
      tpu.enqueue_dma source(%arg10 : memref<1x4096xf32, #tpu.memory_space<vmem>>) target(%dma_start3A_133 : memref<1x4096xf32, #tpu.memory_space<hbm>>) target_semaphore(%arg14 : memref<!tpu.dma_semaphore, #tpu.memory_space<semaphore_mem>>)
      %dma_wait3A_134 = arith.constant 0 : i32
      %dma_wait3A_135 = arith.constant 12288 : i32
      %dma_wait3A_136 = tpu.memref_slice %arg2[%dma_wait3A_134, %dma_wait3A_135] : memref<3x16384xi32, #tpu.memory_space<hbm>> -> memref<1x4096xi32, #tpu.memory_space<hbm>>
      %dma_wait3A_137 = arith.constant 0 : i32
      %dma_wait3A_138 = arith.constant 12288 : i32
      %dma_wait3A_139 = tpu.memref_slice %arg2[%dma_wait3A_137, %dma_wait3A_138] : memref<3x16384xi32, #tpu.memory_space<hbm>> -> memref<1x4096xi32, #tpu.memory_space<hbm>>
      tpu.wait_dma2 semaphore(%arg13 : memref<!tpu.dma_semaphore, #tpu.memory_space<semaphore_mem>>) src(%dma_wait3A_139 : memref<1x4096xi32, #tpu.memory_space<hbm>>) dst(%arg9 : memref<1x4096xi32, #tpu.memory_space<vmem>>)
      %dma_wait3A_140 = arith.constant 0 : i32
      %dma_wait3A_141 = arith.constant 4096 : i32
      %dma_wait3A_142 = tpu.memref_slice %arg6[%dma_wait3A_140, %add3A, %dma_wait3A_141] : memref<3x16x16384xf32, #tpu.memory_space<hbm>> -> memref<1x1x4096xf32, #tpu.memory_space<hbm>>
      %dma_wait3A_143 = tpu.memref_squeeze %dma_wait3A_142 : memref<1x1x4096xf32, #tpu.memory_space<hbm>> -> memref<1x4096xf32, #tpu.memory_space<hbm>>
      %dma_wait3A_144 = arith.constant 4096 : i32
      %dma_wait3A_145 = tpu.memref_slice %arg6[%dma_wait3A_140, %add3A, %dma_wait3A_144] : memref<3x16x16384xf32, #tpu.memory_space<hbm>> -> memref<1x1x4096xf32, #tpu.memory_space<hbm>>
      %dma_wait3A_146 = tpu.memref_squeeze %dma_wait3A_145 : memref<1x1x4096xf32, #tpu.memory_space<hbm>> -> memref<1x4096xf32, #tpu.memory_space<hbm>>
      tpu.wait_dma2 semaphore(%arg15 : memref<!tpu.dma_semaphore, #tpu.memory_space<semaphore_mem>>) src(%arg11 : memref<1x4096xf32, #tpu.memory_space<vmem>>) dst(%dma_wait3A_146 : memref<1x4096xf32, #tpu.memory_space<hbm>>)
      %scan3A_147 = arith.constant 0 : i32
      %scan3A_148 = arith.constant 0 : i32
      %scan3A_149 = arith.constant 256 : i32
      %scan3A_150 = arith.addi %scan3A_148, %scan3A_149 : i32
      %scan3A_151 = arith.constant 1 : i32
      %scan3A_152 = scf.for %scan3A_175 = %scan3A_148 to %scan3A_150 step %scan3A_151 iter_args(%scan3A_176 = %scan3A_147) -> (i32)  : i32 {
        %mul3A_177 = arith.constant 16 : i32
        %mul3A_178 = arith.muli %scan3A_175, %mul3A_177 : i32
        %get3A = arith.constant 0 : i32
        %get3A_179 = arith.index_cast %get3A : i32 to index
        %get3A_180 = arith.index_cast %mul3A_178 : i32 to index
        %get3A_181 = tpu.vector_load %arg9[%get3A_179, %get3A_180] {strides = array<i32>} : memref<1x4096xi32, #tpu.memory_space<vmem>>, vector<16xi32>,
        %gather3A = tpu.vector_load_idx %arg7[%mul3A_3, %get3A_181] : memref<1x100000xf32, #tpu.memory_space<vmem>>[vector<16xi32>, vector<16xi32>], vector<16xf32>,
        %mul3A_182 = arith.constant 16 : i32
        %mul3A_183 = arith.muli %scan3A_175, %mul3A_182 : i32
        %swap3A = arith.constant 0 : i32
        %swap3A_184 = arith.index_cast %swap3A : i32 to index
        %swap3A_185 = arith.index_cast %mul3A_183 : i32 to index
        %swap3A_186 = tpu.vector_load %arg11[%swap3A_184, %swap3A_185] {strides = array<i32>} : memref<1x4096xf32, #tpu.memory_space<vmem>>, vector<16xf32>,
        tpu.vector_store %arg11[%swap3A_184, %swap3A_185], %gather3A {strides = array<i32>} : memref<1x4096xf32, #tpu.memory_space<vmem>>, vector<16xf32>,
        %scan3A_187 = arith.constant 0 : i32
        scf.yield %scan3A_187 : i32
      }
      %scan3A_153 = arith.constant 256 : i32
      %dma_start3A_154 = arith.constant 0 : i32
      %dma_start3A_155 = arith.constant 12288 : i32
      %dma_start3A_156 = tpu.memref_slice %arg6[%dma_start3A_154, %add3A, %dma_start3A_155] : memref<3x16x16384xf32, #tpu.memory_space<hbm>> -> memref<1x1x4096xf32, #tpu.memory_space<hbm>>
      %dma_start3A_157 = tpu.memref_squeeze %dma_start3A_156 : memref<1x1x4096xf32, #tpu.memory_space<hbm>> -> memref<1x4096xf32, #tpu.memory_space<hbm>>
      %dma_start3A_158 = arith.constant 12288 : i32
      %dma_start3A_159 = tpu.memref_slice %arg6[%dma_start3A_154, %add3A, %dma_start3A_158] : memref<3x16x16384xf32, #tpu.memory_space<hbm>> -> memref<1x1x4096xf32, #tpu.memory_space<hbm>>
      %dma_start3A_160 = tpu.memref_squeeze %dma_start3A_159 : memref<1x1x4096xf32, #tpu.memory_space<hbm>> -> memref<1x4096xf32, #tpu.memory_space<hbm>>
      tpu.enqueue_dma source(%arg11 : memref<1x4096xf32, #tpu.memory_space<vmem>>) target(%dma_start3A_160 : memref<1x4096xf32, #tpu.memory_space<hbm>>) target_semaphore(%arg15 : memref<!tpu.dma_semaphore, #tpu.memory_space<semaphore_mem>>)
      %dma_wait3A_161 = arith.constant 0 : i32
      %dma_wait3A_162 = arith.constant 8192 : i32
      %dma_wait3A_163 = tpu.memref_slice %arg6[%dma_wait3A_161, %add3A, %dma_wait3A_162] : memref<3x16x16384xf32, #tpu.memory_space<hbm>> -> memref<1x1x4096xf32, #tpu.memory_space<hbm>>
      %dma_wait3A_164 = tpu.memref_squeeze %dma_wait3A_163 : memref<1x1x4096xf32, #tpu.memory_space<hbm>> -> memref<1x4096xf32, #tpu.memory_space<hbm>>
      %dma_wait3A_165 = arith.constant 8192 : i32
      %dma_wait3A_166 = tpu.memref_slice %arg6[%dma_wait3A_161, %add3A, %dma_wait3A_165] : memref<3x16x16384xf32, #tpu.memory_space<hbm>> -> memref<1x1x4096xf32, #tpu.memory_space<hbm>>
      %dma_wait3A_167 = tpu.memref_squeeze %dma_wait3A_166 : memref<1x1x4096xf32, #tpu.memory_space<hbm>> -> memref<1x4096xf32, #tpu.memory_space<hbm>>
      tpu.wait_dma2 semaphore(%arg14 : memref<!tpu.dma_semaphore, #tpu.memory_space<semaphore_mem>>) src(%arg10 : memref<1x4096xf32, #tpu.memory_space<vmem>>) dst(%dma_wait3A_167 : memref<1x4096xf32, #tpu.memory_space<hbm>>)
      %dma_wait3A_168 = arith.constant 0 : i32
      %dma_wait3A_169 = arith.constant 12288 : i32
      %dma_wait3A_170 = tpu.memref_slice %arg6[%dma_wait3A_168, %add3A, %dma_wait3A_169] : memref<3x16x16384xf32, #tpu.memory_space<hbm>> -> memref<1x1x4096xf32, #tpu.memory_space<hbm>>
      %dma_wait3A_171 = tpu.memref_squeeze %dma_wait3A_170 : memref<1x1x4096xf32, #tpu.memory_space<hbm>> -> memref<1x4096xf32, #tpu.memory_space<hbm>>
      %dma_wait3A_172 = arith.constant 12288 : i32
      %dma_wait3A_173 = tpu.memref_slice %arg6[%dma_wait3A_168, %add3A, %dma_wait3A_172] : memref<3x16x16384xf32, #tpu.memory_space<hbm>> -> memref<1x1x4096xf32, #tpu.memory_space<hbm>>
      %dma_wait3A_174 = tpu.memref_squeeze %dma_wait3A_173 : memref<1x1x4096xf32, #tpu.memory_space<hbm>> -> memref<1x4096xf32, #tpu.memory_space<hbm>>
      tpu.wait_dma2 semaphore(%arg15 : memref<!tpu.dma_semaphore, #tpu.memory_space<semaphore_mem>>) src(%arg11 : memref<1x4096xf32, #tpu.memory_space<vmem>>) dst(%dma_wait3A_174 : memref<1x4096xf32, #tpu.memory_space<hbm>>)
    } else {
    }
    %ge3A = arith.constant 16 : i32
    %ge3A_6 = arith.cmpi sge, %add3A, %ge3A : i32
    %convert_element_type3A_7 = arith.extui %ge3A_6 : i1 to i32
    %cond3A_8 = arith.constant 0 : i32
    %cond3A_9 = arith.cmpi ne, %convert_element_type3A_7, %cond3A_8 : i32
    scf.if %cond3A_9 {
      %sub3A = arith.constant 16 : i32
      %sub3A_46 = arith.subi %add3A, %sub3A : i32
      %dma_start3A = arith.constant 1 : i32
      %dma_start3A_47 = arith.constant 0 : i32
      %dma_start3A_48 = tpu.memref_slice %arg2[%dma_start3A, %dma_start3A_47] : memref<3x16384xi32, #tpu.memory_space<hbm>> -> memref<1x4096xi32, #tpu.memory_space<hbm>>
      %dma_start3A_49 = arith.constant 1 : i32
      %dma_start3A_50 = arith.constant 0 : i32
      %dma_start3A_51 = tpu.memref_slice %arg2[%dma_start3A_49, %dma_start3A_50] : memref<3x16384xi32, #tpu.memory_space<hbm>> -> memref<1x4096xi32, #tpu.memory_space<hbm>>
      tpu.enqueue_dma source(%dma_start3A_51 : memref<1x4096xi32, #tpu.memory_space<hbm>>) target(%arg8 : memref<1x4096xi32, #tpu.memory_space<vmem>>) target_semaphore(%arg12 : memref<!tpu.dma_semaphore, #tpu.memory_space<semaphore_mem>>)
      "tpu.region"() ({
        %run_scoped3A = tpu.sem_alloc : memref<!tpu.dma_semaphore, #tpu.memory_space<semaphore_mem>>
        %dma_start3A_176 = arith.constant 0 : i32
        %dma_start3A_177 = tpu.memref_slice %arg4[%sub3A_46, %dma_start3A_176] : memref<16x100000xf32, #tpu.memory_space<hbm>> -> memref<1x100000xf32, #tpu.memory_space<hbm>>
        %dma_start3A_178 = arith.constant 0 : i32
        %dma_start3A_179 = tpu.memref_slice %arg4[%sub3A_46, %dma_start3A_178] : memref<16x100000xf32, #tpu.memory_space<hbm>> -> memref<1x100000xf32, #tpu.memory_space<hbm>>
        tpu.enqueue_dma source(%dma_start3A_179 : memref<1x100000xf32, #tpu.memory_space<hbm>>) target(%arg7 : memref<1x100000xf32, #tpu.memory_space<vmem>>) target_semaphore(%run_scoped3A : memref<!tpu.dma_semaphore, #tpu.memory_space<semaphore_mem>>)
        %dma_wait3A_180 = arith.constant 0 : i32
        %dma_wait3A_181 = tpu.memref_slice %arg4[%sub3A_46, %dma_wait3A_180] : memref<16x100000xf32, #tpu.memory_space<hbm>> -> memref<1x100000xf32, #tpu.memory_space<hbm>>
        %dma_wait3A_182 = arith.constant 0 : i32
        %dma_wait3A_183 = tpu.memref_slice %arg4[%sub3A_46, %dma_wait3A_182] : memref<16x100000xf32, #tpu.memory_space<hbm>> -> memref<1x100000xf32, #tpu.memory_space<hbm>>
        tpu.wait_dma2 semaphore(%run_scoped3A : memref<!tpu.dma_semaphore, #tpu.memory_space<semaphore_mem>>) src(%dma_wait3A_183 : memref<1x100000xf32, #tpu.memory_space<hbm>>) dst(%arg7 : memref<1x100000xf32, #tpu.memory_space<vmem>>)
        tpu.yield
      }) : () -> ()
      %dma_wait3A = arith.constant 1 : i32
      %dma_wait3A_52 = arith.constant 0 : i32
      %dma_wait3A_53 = tpu.memref_slice %arg2[%dma_wait3A, %dma_wait3A_52] : memref<3x16384xi32, #tpu.memory_space<hbm>> -> memref<1x4096xi32, #tpu.memory_space<hbm>>
      %dma_wait3A_54 = arith.constant 1 : i32
      %dma_wait3A_55 = arith.constant 0 : i32
      %dma_wait3A_56 = tpu.memref_slice %arg2[%dma_wait3A_54, %dma_wait3A_55] : memref<3x16384xi32, #tpu.memory_space<hbm>> -> memref<1x4096xi32, #tpu.memory_space<hbm>>
      tpu.wait_dma2 semaphore(%arg12 : memref<!tpu.dma_semaphore, #tpu.memory_space<semaphore_mem>>) src(%dma_wait3A_56 : memref<1x4096xi32, #tpu.memory_space<hbm>>) dst(%arg8 : memref<1x4096xi32, #tpu.memory_space<vmem>>)
      %dma_start3A_57 = arith.constant 1 : i32
      %dma_start3A_58 = arith.constant 4096 : i32
      %dma_start3A_59 = tpu.memref_slice %arg2[%dma_start3A_57, %dma_start3A_58] : memref<3x16384xi32, #tpu.memory_space<hbm>> -> memref<1x4096xi32, #tpu.memory_space<hbm>>
      %dma_start3A_60 = arith.constant 1 : i32
      %dma_start3A_61 = arith.constant 4096 : i32
      %dma_start3A_62 = tpu.memref_slice %arg2[%dma_start3A_60, %dma_start3A_61] : memref<3x16384xi32, #tpu.memory_space<hbm>> -> memref<1x4096xi32, #tpu.memory_space<hbm>>
      tpu.enqueue_dma source(%dma_start3A_62 : memref<1x4096xi32, #tpu.memory_space<hbm>>) target(%arg9 : memref<1x4096xi32, #tpu.memory_space<vmem>>) target_semaphore(%arg13 : memref<!tpu.dma_semaphore, #tpu.memory_space<semaphore_mem>>)
      %scan3A = arith.constant 0 : i32
      %scan3A_63 = arith.constant 0 : i32
      %scan3A_64 = arith.constant 256 : i32
      %scan3A_65 = arith.addi %scan3A_63, %scan3A_64 : i32
      %scan3A_66 = arith.constant 1 : i32
      %scan3A_67 = scf.for %scan3A_176 = %scan3A_63 to %scan3A_65 step %scan3A_66 iter_args(%scan3A_177 = %scan3A) -> (i32)  : i32 {
        %mul3A_178 = arith.constant 16 : i32
        %mul3A_179 = arith.muli %scan3A_176, %mul3A_178 : i32
        %get3A = arith.constant 0 : i32
        %get3A_180 = arith.index_cast %get3A : i32 to index
        %get3A_181 = arith.index_cast %mul3A_179 : i32 to index
        %get3A_182 = tpu.vector_load %arg8[%get3A_180, %get3A_181] {strides = array<i32>} : memref<1x4096xi32, #tpu.memory_space<vmem>>, vector<16xi32>,
        %gather3A = tpu.vector_load_idx %arg7[%mul3A_3, %get3A_182] : memref<1x100000xf32, #tpu.memory_space<vmem>>[vector<16xi32>, vector<16xi32>], vector<16xf32>,
        %mul3A_183 = arith.constant 16 : i32
        %mul3A_184 = arith.muli %scan3A_176, %mul3A_183 : i32
        %swap3A = arith.constant 0 : i32
        %swap3A_185 = arith.index_cast %swap3A : i32 to index
        %swap3A_186 = arith.index_cast %mul3A_184 : i32 to index
        %swap3A_187 = tpu.vector_load %arg10[%swap3A_185, %swap3A_186] {strides = array<i32>} : memref<1x4096xf32, #tpu.memory_space<vmem>>, vector<16xf32>,
        tpu.vector_store %arg10[%swap3A_185, %swap3A_186], %gather3A {strides = array<i32>} : memref<1x4096xf32, #tpu.memory_space<vmem>>, vector<16xf32>,
        %scan3A_188 = arith.constant 0 : i32
        scf.yield %scan3A_188 : i32
      }
      %scan3A_68 = arith.constant 256 : i32
      %dma_start3A_69 = arith.constant 1 : i32
      %dma_start3A_70 = arith.constant 0 : i32
      %dma_start3A_71 = tpu.memref_slice %arg6[%dma_start3A_69, %sub3A_46, %dma_start3A_70] : memref<3x16x16384xf32, #tpu.memory_space<hbm>> -> memref<1x1x4096xf32, #tpu.memory_space<hbm>>
      %dma_start3A_72 = tpu.memref_squeeze %dma_start3A_71 : memref<1x1x4096xf32, #tpu.memory_space<hbm>> -> memref<1x4096xf32, #tpu.memory_space<hbm>>
      %dma_start3A_73 = arith.constant 0 : i32
      %dma_start3A_74 = tpu.memref_slice %arg6[%dma_start3A_69, %sub3A_46, %dma_start3A_73] : memref<3x16x16384xf32, #tpu.memory_space<hbm>> -> memref<1x1x4096xf32, #tpu.memory_space<hbm>>
      %dma_start3A_75 = tpu.memref_squeeze %dma_start3A_74 : memref<1x1x4096xf32, #tpu.memory_space<hbm>> -> memref<1x4096xf32, #tpu.memory_space<hbm>>
      tpu.enqueue_dma source(%arg10 : memref<1x4096xf32, #tpu.memory_space<vmem>>) target(%dma_start3A_75 : memref<1x4096xf32, #tpu.memory_space<hbm>>) target_semaphore(%arg14 : memref<!tpu.dma_semaphore, #tpu.memory_space<semaphore_mem>>)
      %dma_wait3A_76 = arith.constant 1 : i32
      %dma_wait3A_77 = arith.constant 4096 : i32
      %dma_wait3A_78 = tpu.memref_slice %arg2[%dma_wait3A_76, %dma_wait3A_77] : memref<3x16384xi32, #tpu.memory_space<hbm>> -> memref<1x4096xi32, #tpu.memory_space<hbm>>
      %dma_wait3A_79 = arith.constant 1 : i32
      %dma_wait3A_80 = arith.constant 4096 : i32
      %dma_wait3A_81 = tpu.memref_slice %arg2[%dma_wait3A_79, %dma_wait3A_80] : memref<3x16384xi32, #tpu.memory_space<hbm>> -> memref<1x4096xi32, #tpu.memory_space<hbm>>
      tpu.wait_dma2 semaphore(%arg13 : memref<!tpu.dma_semaphore, #tpu.memory_space<semaphore_mem>>) src(%dma_wait3A_81 : memref<1x4096xi32, #tpu.memory_space<hbm>>) dst(%arg9 : memref<1x4096xi32, #tpu.memory_space<vmem>>)
      %dma_start3A_82 = arith.constant 1 : i32
      %dma_start3A_83 = arith.constant 8192 : i32
      %dma_start3A_84 = tpu.memref_slice %arg2[%dma_start3A_82, %dma_start3A_83] : memref<3x16384xi32, #tpu.memory_space<hbm>> -> memref<1x4096xi32, #tpu.memory_space<hbm>>
      %dma_start3A_85 = arith.constant 1 : i32
      %dma_start3A_86 = arith.constant 8192 : i32
      %dma_start3A_87 = tpu.memref_slice %arg2[%dma_start3A_85, %dma_start3A_86] : memref<3x16384xi32, #tpu.memory_space<hbm>> -> memref<1x4096xi32, #tpu.memory_space<hbm>>
      tpu.enqueue_dma source(%dma_start3A_87 : memref<1x4096xi32, #tpu.memory_space<hbm>>) target(%arg8 : memref<1x4096xi32, #tpu.memory_space<vmem>>) target_semaphore(%arg12 : memref<!tpu.dma_semaphore, #tpu.memory_space<semaphore_mem>>)
      %scan3A_88 = arith.constant 0 : i32
      %scan3A_89 = arith.constant 0 : i32
      %scan3A_90 = arith.constant 256 : i32
      %scan3A_91 = arith.addi %scan3A_89, %scan3A_90 : i32
      %scan3A_92 = arith.constant 1 : i32
      %scan3A_93 = scf.for %scan3A_176 = %scan3A_89 to %scan3A_91 step %scan3A_92 iter_args(%scan3A_177 = %scan3A_88) -> (i32)  : i32 {
        %mul3A_178 = arith.constant 16 : i32
        %mul3A_179 = arith.muli %scan3A_176, %mul3A_178 : i32
        %get3A = arith.constant 0 : i32
        %get3A_180 = arith.index_cast %get3A : i32 to index
        %get3A_181 = arith.index_cast %mul3A_179 : i32 to index
        %get3A_182 = tpu.vector_load %arg9[%get3A_180, %get3A_181] {strides = array<i32>} : memref<1x4096xi32, #tpu.memory_space<vmem>>, vector<16xi32>,
        %gather3A = tpu.vector_load_idx %arg7[%mul3A_3, %get3A_182] : memref<1x100000xf32, #tpu.memory_space<vmem>>[vector<16xi32>, vector<16xi32>], vector<16xf32>,
        %mul3A_183 = arith.constant 16 : i32
        %mul3A_184 = arith.muli %scan3A_176, %mul3A_183 : i32
        %swap3A = arith.constant 0 : i32
        %swap3A_185 = arith.index_cast %swap3A : i32 to index
        %swap3A_186 = arith.index_cast %mul3A_184 : i32 to index
        %swap3A_187 = tpu.vector_load %arg11[%swap3A_185, %swap3A_186] {strides = array<i32>} : memref<1x4096xf32, #tpu.memory_space<vmem>>, vector<16xf32>,
        tpu.vector_store %arg11[%swap3A_185, %swap3A_186], %gather3A {strides = array<i32>} : memref<1x4096xf32, #tpu.memory_space<vmem>>, vector<16xf32>,
        %scan3A_188 = arith.constant 0 : i32
        scf.yield %scan3A_188 : i32
      }
      %scan3A_94 = arith.constant 256 : i32
      %dma_start3A_95 = arith.constant 1 : i32
      %dma_start3A_96 = arith.constant 4096 : i32
      %dma_start3A_97 = tpu.memref_slice %arg6[%dma_start3A_95, %sub3A_46, %dma_start3A_96] : memref<3x16x16384xf32, #tpu.memory_space<hbm>> -> memref<1x1x4096xf32, #tpu.memory_space<hbm>>
      %dma_start3A_98 = tpu.memref_squeeze %dma_start3A_97 : memref<1x1x4096xf32, #tpu.memory_space<hbm>> -> memref<1x4096xf32, #tpu.memory_space<hbm>>
      %dma_start3A_99 = arith.constant 4096 : i32
      %dma_start3A_100 = tpu.memref_slice %arg6[%dma_start3A_95, %sub3A_46, %dma_start3A_99] : memref<3x16x16384xf32, #tpu.memory_space<hbm>> -> memref<1x1x4096xf32, #tpu.memory_space<hbm>>
      %dma_start3A_101 = tpu.memref_squeeze %dma_start3A_100 : memref<1x1x4096xf32, #tpu.memory_space<hbm>> -> memref<1x4096xf32, #tpu.memory_space<hbm>>
      tpu.enqueue_dma source(%arg11 : memref<1x4096xf32, #tpu.memory_space<vmem>>) target(%dma_start3A_101 : memref<1x4096xf32, #tpu.memory_space<hbm>>) target_semaphore(%arg15 : memref<!tpu.dma_semaphore, #tpu.memory_space<semaphore_mem>>)
      %dma_wait3A_102 = arith.constant 1 : i32
      %dma_wait3A_103 = arith.constant 8192 : i32
      %dma_wait3A_104 = tpu.memref_slice %arg2[%dma_wait3A_102, %dma_wait3A_103] : memref<3x16384xi32, #tpu.memory_space<hbm>> -> memref<1x4096xi32, #tpu.memory_space<hbm>>
      %dma_wait3A_105 = arith.constant 1 : i32
      %dma_wait3A_106 = arith.constant 8192 : i32
      %dma_wait3A_107 = tpu.memref_slice %arg2[%dma_wait3A_105, %dma_wait3A_106] : memref<3x16384xi32, #tpu.memory_space<hbm>> -> memref<1x4096xi32, #tpu.memory_space<hbm>>
      tpu.wait_dma2 semaphore(%arg12 : memref<!tpu.dma_semaphore, #tpu.memory_space<semaphore_mem>>) src(%dma_wait3A_107 : memref<1x4096xi32, #tpu.memory_space<hbm>>) dst(%arg8 : memref<1x4096xi32, #tpu.memory_space<vmem>>)
      %dma_start3A_108 = arith.constant 1 : i32
      %dma_start3A_109 = arith.constant 12288 : i32
      %dma_start3A_110 = tpu.memref_slice %arg2[%dma_start3A_108, %dma_start3A_109] : memref<3x16384xi32, #tpu.memory_space<hbm>> -> memref<1x4096xi32, #tpu.memory_space<hbm>>
      %dma_start3A_111 = arith.constant 1 : i32
      %dma_start3A_112 = arith.constant 12288 : i32
      %dma_start3A_113 = tpu.memref_slice %arg2[%dma_start3A_111, %dma_start3A_112] : memref<3x16384xi32, #tpu.memory_space<hbm>> -> memref<1x4096xi32, #tpu.memory_space<hbm>>
      tpu.enqueue_dma source(%dma_start3A_113 : memref<1x4096xi32, #tpu.memory_space<hbm>>) target(%arg9 : memref<1x4096xi32, #tpu.memory_space<vmem>>) target_semaphore(%arg13 : memref<!tpu.dma_semaphore, #tpu.memory_space<semaphore_mem>>)
      %dma_wait3A_114 = arith.constant 1 : i32
      %dma_wait3A_115 = arith.constant 0 : i32
      %dma_wait3A_116 = tpu.memref_slice %arg6[%dma_wait3A_114, %sub3A_46, %dma_wait3A_115] : memref<3x16x16384xf32, #tpu.memory_space<hbm>> -> memref<1x1x4096xf32, #tpu.memory_space<hbm>>
      %dma_wait3A_117 = tpu.memref_squeeze %dma_wait3A_116 : memref<1x1x4096xf32, #tpu.memory_space<hbm>> -> memref<1x4096xf32, #tpu.memory_space<hbm>>
      %dma_wait3A_118 = arith.constant 0 : i32
      %dma_wait3A_119 = tpu.memref_slice %arg6[%dma_wait3A_114, %sub3A_46, %dma_wait3A_118] : memref<3x16x16384xf32, #tpu.memory_space<hbm>> -> memref<1x1x4096xf32, #tpu.memory_space<hbm>>
      %dma_wait3A_120 = tpu.memref_squeeze %dma_wait3A_119 : memref<1x1x4096xf32, #tpu.memory_space<hbm>> -> memref<1x4096xf32, #tpu.memory_space<hbm>>
      tpu.wait_dma2 semaphore(%arg14 : memref<!tpu.dma_semaphore, #tpu.memory_space<semaphore_mem>>) src(%arg10 : memref<1x4096xf32, #tpu.memory_space<vmem>>) dst(%dma_wait3A_120 : memref<1x4096xf32, #tpu.memory_space<hbm>>)
      %scan3A_121 = arith.constant 0 : i32
      %scan3A_122 = arith.constant 0 : i32
      %scan3A_123 = arith.constant 256 : i32
      %scan3A_124 = arith.addi %scan3A_122, %scan3A_123 : i32
      %scan3A_125 = arith.constant 1 : i32
      %scan3A_126 = scf.for %scan3A_176 = %scan3A_122 to %scan3A_124 step %scan3A_125 iter_args(%scan3A_177 = %scan3A_121) -> (i32)  : i32 {
        %mul3A_178 = arith.constant 16 : i32
        %mul3A_179 = arith.muli %scan3A_176, %mul3A_178 : i32
        %get3A = arith.constant 0 : i32
        %get3A_180 = arith.index_cast %get3A : i32 to index
        %get3A_181 = arith.index_cast %mul3A_179 : i32 to index
        %get3A_182 = tpu.vector_load %arg8[%get3A_180, %get3A_181] {strides = array<i32>} : memref<1x4096xi32, #tpu.memory_space<vmem>>, vector<16xi32>,
        %gather3A = tpu.vector_load_idx %arg7[%mul3A_3, %get3A_182] : memref<1x100000xf32, #tpu.memory_space<vmem>>[vector<16xi32>, vector<16xi32>], vector<16xf32>,
        %mul3A_183 = arith.constant 16 : i32
        %mul3A_184 = arith.muli %scan3A_176, %mul3A_183 : i32
        %swap3A = arith.constant 0 : i32
        %swap3A_185 = arith.index_cast %swap3A : i32 to index
        %swap3A_186 = arith.index_cast %mul3A_184 : i32 to index
        %swap3A_187 = tpu.vector_load %arg10[%swap3A_185, %swap3A_186] {strides = array<i32>} : memref<1x4096xf32, #tpu.memory_space<vmem>>, vector<16xf32>,
        tpu.vector_store %arg10[%swap3A_185, %swap3A_186], %gather3A {strides = array<i32>} : memref<1x4096xf32, #tpu.memory_space<vmem>>, vector<16xf32>,
        %scan3A_188 = arith.constant 0 : i32
        scf.yield %scan3A_188 : i32
      }
      %scan3A_127 = arith.constant 256 : i32
      %dma_start3A_128 = arith.constant 1 : i32
      %dma_start3A_129 = arith.constant 8192 : i32
      %dma_start3A_130 = tpu.memref_slice %arg6[%dma_start3A_128, %sub3A_46, %dma_start3A_129] : memref<3x16x16384xf32, #tpu.memory_space<hbm>> -> memref<1x1x4096xf32, #tpu.memory_space<hbm>>
      %dma_start3A_131 = tpu.memref_squeeze %dma_start3A_130 : memref<1x1x4096xf32, #tpu.memory_space<hbm>> -> memref<1x4096xf32, #tpu.memory_space<hbm>>
      %dma_start3A_132 = arith.constant 8192 : i32
      %dma_start3A_133 = tpu.memref_slice %arg6[%dma_start3A_128, %sub3A_46, %dma_start3A_132] : memref<3x16x16384xf32, #tpu.memory_space<hbm>> -> memref<1x1x4096xf32, #tpu.memory_space<hbm>>
      %dma_start3A_134 = tpu.memref_squeeze %dma_start3A_133 : memref<1x1x4096xf32, #tpu.memory_space<hbm>> -> memref<1x4096xf32, #tpu.memory_space<hbm>>
      tpu.enqueue_dma source(%arg10 : memref<1x4096xf32, #tpu.memory_space<vmem>>) target(%dma_start3A_134 : memref<1x4096xf32, #tpu.memory_space<hbm>>) target_semaphore(%arg14 : memref<!tpu.dma_semaphore, #tpu.memory_space<semaphore_mem>>)
      %dma_wait3A_135 = arith.constant 1 : i32
      %dma_wait3A_136 = arith.constant 12288 : i32
      %dma_wait3A_137 = tpu.memref_slice %arg2[%dma_wait3A_135, %dma_wait3A_136] : memref<3x16384xi32, #tpu.memory_space<hbm>> -> memref<1x4096xi32, #tpu.memory_space<hbm>>
      %dma_wait3A_138 = arith.constant 1 : i32
      %dma_wait3A_139 = arith.constant 12288 : i32
      %dma_wait3A_140 = tpu.memref_slice %arg2[%dma_wait3A_138, %dma_wait3A_139] : memref<3x16384xi32, #tpu.memory_space<hbm>> -> memref<1x4096xi32, #tpu.memory_space<hbm>>
      tpu.wait_dma2 semaphore(%arg13 : memref<!tpu.dma_semaphore, #tpu.memory_space<semaphore_mem>>) src(%dma_wait3A_140 : memref<1x4096xi32, #tpu.memory_space<hbm>>) dst(%arg9 : memref<1x4096xi32, #tpu.memory_space<vmem>>)
      %dma_wait3A_141 = arith.constant 1 : i32
      %dma_wait3A_142 = arith.constant 4096 : i32
      %dma_wait3A_143 = tpu.memref_slice %arg6[%dma_wait3A_141, %sub3A_46, %dma_wait3A_142] : memref<3x16x16384xf32, #tpu.memory_space<hbm>> -> memref<1x1x4096xf32, #tpu.memory_space<hbm>>
      %dma_wait3A_144 = tpu.memref_squeeze %dma_wait3A_143 : memref<1x1x4096xf32, #tpu.memory_space<hbm>> -> memref<1x4096xf32, #tpu.memory_space<hbm>>
      %dma_wait3A_145 = arith.constant 4096 : i32
      %dma_wait3A_146 = tpu.memref_slice %arg6[%dma_wait3A_141, %sub3A_46, %dma_wait3A_145] : memref<3x16x16384xf32, #tpu.memory_space<hbm>> -> memref<1x1x4096xf32, #tpu.memory_space<hbm>>
      %dma_wait3A_147 = tpu.memref_squeeze %dma_wait3A_146 : memref<1x1x4096xf32, #tpu.memory_space<hbm>> -> memref<1x4096xf32, #tpu.memory_space<hbm>>
      tpu.wait_dma2 semaphore(%arg15 : memref<!tpu.dma_semaphore, #tpu.memory_space<semaphore_mem>>) src(%arg11 : memref<1x4096xf32, #tpu.memory_space<vmem>>) dst(%dma_wait3A_147 : memref<1x4096xf32, #tpu.memory_space<hbm>>)
      %scan3A_148 = arith.constant 0 : i32
      %scan3A_149 = arith.constant 0 : i32
      %scan3A_150 = arith.constant 256 : i32
      %scan3A_151 = arith.addi %scan3A_149, %scan3A_150 : i32
      %scan3A_152 = arith.constant 1 : i32
      %scan3A_153 = scf.for %scan3A_176 = %scan3A_149 to %scan3A_151 step %scan3A_152 iter_args(%scan3A_177 = %scan3A_148) -> (i32)  : i32 {
        %mul3A_178 = arith.constant 16 : i32
        %mul3A_179 = arith.muli %scan3A_176, %mul3A_178 : i32
        %get3A = arith.constant 0 : i32
        %get3A_180 = arith.index_cast %get3A : i32 to index
        %get3A_181 = arith.index_cast %mul3A_179 : i32 to index
        %get3A_182 = tpu.vector_load %arg9[%get3A_180, %get3A_181] {strides = array<i32>} : memref<1x4096xi32, #tpu.memory_space<vmem>>, vector<16xi32>,
        %gather3A = tpu.vector_load_idx %arg7[%mul3A_3, %get3A_182] : memref<1x100000xf32, #tpu.memory_space<vmem>>[vector<16xi32>, vector<16xi32>], vector<16xf32>,
        %mul3A_183 = arith.constant 16 : i32
        %mul3A_184 = arith.muli %scan3A_176, %mul3A_183 : i32
        %swap3A = arith.constant 0 : i32
        %swap3A_185 = arith.index_cast %swap3A : i32 to index
        %swap3A_186 = arith.index_cast %mul3A_184 : i32 to index
        %swap3A_187 = tpu.vector_load %arg11[%swap3A_185, %swap3A_186] {strides = array<i32>} : memref<1x4096xf32, #tpu.memory_space<vmem>>, vector<16xf32>,
        tpu.vector_store %arg11[%swap3A_185, %swap3A_186], %gather3A {strides = array<i32>} : memref<1x4096xf32, #tpu.memory_space<vmem>>, vector<16xf32>,
        %scan3A_188 = arith.constant 0 : i32
        scf.yield %scan3A_188 : i32
      }
      %scan3A_154 = arith.constant 256 : i32
      %dma_start3A_155 = arith.constant 1 : i32
      %dma_start3A_156 = arith.constant 12288 : i32
      %dma_start3A_157 = tpu.memref_slice %arg6[%dma_start3A_155, %sub3A_46, %dma_start3A_156] : memref<3x16x16384xf32, #tpu.memory_space<hbm>> -> memref<1x1x4096xf32, #tpu.memory_space<hbm>>
      %dma_start3A_158 = tpu.memref_squeeze %dma_start3A_157 : memref<1x1x4096xf32, #tpu.memory_space<hbm>> -> memref<1x4096xf32, #tpu.memory_space<hbm>>
      %dma_start3A_159 = arith.constant 12288 : i32
      %dma_start3A_160 = tpu.memref_slice %arg6[%dma_start3A_155, %sub3A_46, %dma_start3A_159] : memref<3x16x16384xf32, #tpu.memory_space<hbm>> -> memref<1x1x4096xf32, #tpu.memory_space<hbm>>
      %dma_start3A_161 = tpu.memref_squeeze %dma_start3A_160 : memref<1x1x4096xf32, #tpu.memory_space<hbm>> -> memref<1x4096xf32, #tpu.memory_space<hbm>>
      tpu.enqueue_dma source(%arg11 : memref<1x4096xf32, #tpu.memory_space<vmem>>) target(%dma_start3A_161 : memref<1x4096xf32, #tpu.memory_space<hbm>>) target_semaphore(%arg15 : memref<!tpu.dma_semaphore, #tpu.memory_space<semaphore_mem>>)
      %dma_wait3A_162 = arith.constant 1 : i32
      %dma_wait3A_163 = arith.constant 8192 : i32
      %dma_wait3A_164 = tpu.memref_slice %arg6[%dma_wait3A_162, %sub3A_46, %dma_wait3A_163] : memref<3x16x16384xf32, #tpu.memory_space<hbm>> -> memref<1x1x4096xf32, #tpu.memory_space<hbm>>
      %dma_wait3A_165 = tpu.memref_squeeze %dma_wait3A_164 : memref<1x1x4096xf32, #tpu.memory_space<hbm>> -> memref<1x4096xf32, #tpu.memory_space<hbm>>
      %dma_wait3A_166 = arith.constant 8192 : i32
      %dma_wait3A_167 = tpu.memref_slice %arg6[%dma_wait3A_162, %sub3A_46, %dma_wait3A_166] : memref<3x16x16384xf32, #tpu.memory_space<hbm>> -> memref<1x1x4096xf32, #tpu.memory_space<hbm>>
      %dma_wait3A_168 = tpu.memref_squeeze %dma_wait3A_167 : memref<1x1x4096xf32, #tpu.memory_space<hbm>> -> memref<1x4096xf32, #tpu.memory_space<hbm>>
      tpu.wait_dma2 semaphore(%arg14 : memref<!tpu.dma_semaphore, #tpu.memory_space<semaphore_mem>>) src(%arg10 : memref<1x4096xf32, #tpu.memory_space<vmem>>) dst(%dma_wait3A_168 : memref<1x4096xf32, #tpu.memory_space<hbm>>)
      %dma_wait3A_169 = arith.constant 1 : i32
      %dma_wait3A_170 = arith.constant 12288 : i32
      %dma_wait3A_171 = tpu.memref_slice %arg6[%dma_wait3A_169, %sub3A_46, %dma_wait3A_170] : memref<3x16x16384xf32, #tpu.memory_space<hbm>> -> memref<1x1x4096xf32, #tpu.memory_space<hbm>>
      %dma_wait3A_172 = tpu.memref_squeeze %dma_wait3A_171 : memref<1x1x4096xf32, #tpu.memory_space<hbm>> -> memref<1x4096xf32, #tpu.memory_space<hbm>>
      %dma_wait3A_173 = arith.constant 12288 : i32
      %dma_wait3A_174 = tpu.memref_slice %arg6[%dma_wait3A_169, %sub3A_46, %dma_wait3A_173] : memref<3x16x16384xf32, #tpu.memory_space<hbm>> -> memref<1x1x4096xf32, #tpu.memory_space<hbm>>
      %dma_wait3A_175 = tpu.memref_squeeze %dma_wait3A_174 : memref<1x1x4096xf32, #tpu.memory_space<hbm>> -> memref<1x4096xf32, #tpu.memory_space<hbm>>
      tpu.wait_dma2 semaphore(%arg15 : memref<!tpu.dma_semaphore, #tpu.memory_space<semaphore_mem>>) src(%arg11 : memref<1x4096xf32, #tpu.memory_space<vmem>>) dst(%dma_wait3A_175 : memref<1x4096xf32, #tpu.memory_space<hbm>>)
    } else {
    }
    %jit3A = arith.constant 2 : i32
    %eq3A = arith.constant 0 : i32
    %eq3A_10 = arith.cmpi eq, %jit3A, %eq3A : i32
    %jit3A_11 = arith.constant 1 : i32
    %select_n3A = arith.select %eq3A_10, %jit3A_11, %jit3A : i32
    %rem3A = arith.remsi %add3A, %select_n3A : i32
    %ne3A = arith.constant 0 : i32
    %ne3A_12 = arith.cmpi ne, %rem3A, %ne3A : i32
    %lt3A_13 = arith.constant 0 : i32
    %lt3A_14 = arith.cmpi slt, %rem3A, %lt3A_13 : i32
    %lt3A_15 = arith.constant 0 : i32
    %lt3A_16 = arith.cmpi slt, %select_n3A, %lt3A_15 : i32
    %ne3A_17 = arith.xori %lt3A_14, %lt3A_16 : i1
    %and3A = arith.andi %ne3A_17, %ne3A_12 : i1
    %add3A_18 = arith.addi %rem3A, %select_n3A : i32
    %select_n3A_19 = arith.select %and3A, %add3A_18, %rem3A : i32
    %eq3A_20 = arith.constant 0 : i32
    %eq3A_21 = arith.cmpi eq, %select_n3A_19, %eq3A_20 : i32
    %convert_element_type3A_22 = arith.extui %eq3A_21 : i1 to i32
    %cond3A_23 = arith.constant 0 : i32
    %cond3A_24 = arith.cmpi ne, %convert_element_type3A_22, %cond3A_23 : i32
    scf.if %cond3A_24 {
      %shift_right_arithmetic3A = arith.constant 1 : i32
      %shift_right_arithmetic3A_46 = arith.shrsi %add3A, %shift_right_arithmetic3A : i32
      %dma_start3A = arith.constant 2 : i32
      %dma_start3A_47 = arith.constant 0 : i32
      %dma_start3A_48 = tpu.memref_slice %arg2[%dma_start3A, %dma_start3A_47] : memref<3x16384xi32, #tpu.memory_space<hbm>> -> memref<1x4096xi32, #tpu.memory_space<hbm>>
      %dma_start3A_49 = arith.constant 2 : i32
      %dma_start3A_50 = arith.constant 0 : i32
      %dma_start3A_51 = tpu.memref_slice %arg2[%dma_start3A_49, %dma_start3A_50] : memref<3x16384xi32, #tpu.memory_space<hbm>> -> memref<1x4096xi32, #tpu.memory_space<hbm>>
      tpu.enqueue_dma source(%dma_start3A_51 : memref<1x4096xi32, #tpu.memory_space<hbm>>) target(%arg8 : memref<1x4096xi32, #tpu.memory_space<vmem>>) target_semaphore(%arg12 : memref<!tpu.dma_semaphore, #tpu.memory_space<semaphore_mem>>)
      "tpu.region"() ({
        %run_scoped3A = tpu.sem_alloc : memref<!tpu.dma_semaphore, #tpu.memory_space<semaphore_mem>>
        %dma_start3A_110 = arith.constant 0 : i32
        %dma_start3A_111 = tpu.memref_slice %arg5[%shift_right_arithmetic3A_46, %dma_start3A_110] : memref<16x100000xf32, #tpu.memory_space<hbm>> -> memref<1x100000xf32, #tpu.memory_space<hbm>>
        %dma_start3A_112 = arith.constant 0 : i32
        %dma_start3A_113 = tpu.memref_slice %arg5[%shift_right_arithmetic3A_46, %dma_start3A_112] : memref<16x100000xf32, #tpu.memory_space<hbm>> -> memref<1x100000xf32, #tpu.memory_space<hbm>>
        tpu.enqueue_dma source(%dma_start3A_113 : memref<1x100000xf32, #tpu.memory_space<hbm>>) target(%arg7 : memref<1x100000xf32, #tpu.memory_space<vmem>>) target_semaphore(%run_scoped3A : memref<!tpu.dma_semaphore, #tpu.memory_space<semaphore_mem>>)
        %dma_wait3A_114 = arith.constant 0 : i32
        %dma_wait3A_115 = tpu.memref_slice %arg5[%shift_right_arithmetic3A_46, %dma_wait3A_114] : memref<16x100000xf32, #tpu.memory_space<hbm>> -> memref<1x100000xf32, #tpu.memory_space<hbm>>
        %dma_wait3A_116 = arith.constant 0 : i32
        %dma_wait3A_117 = tpu.memref_slice %arg5[%shift_right_arithmetic3A_46, %dma_wait3A_116] : memref<16x100000xf32, #tpu.memory_space<hbm>> -> memref<1x100000xf32, #tpu.memory_space<hbm>>
        tpu.wait_dma2 semaphore(%run_scoped3A : memref<!tpu.dma_semaphore, #tpu.memory_space<semaphore_mem>>) src(%dma_wait3A_117 : memref<1x100000xf32, #tpu.memory_space<hbm>>) dst(%arg7 : memref<1x100000xf32, #tpu.memory_space<vmem>>)
        tpu.yield
      }) : () -> ()
      %dma_wait3A = arith.constant 2 : i32
      %dma_wait3A_52 = arith.constant 0 : i32
      %dma_wait3A_53 = tpu.memref_slice %arg2[%dma_wait3A, %dma_wait3A_52] : memref<3x16384xi32, #tpu.memory_space<hbm>> -> memref<1x4096xi32, #tpu.memory_space<hbm>>
      %dma_wait3A_54 = arith.constant 2 : i32
      %dma_wait3A_55 = arith.constant 0 : i32
      %dma_wait3A_56 = tpu.memref_slice %arg2[%dma_wait3A_54, %dma_wait3A_55] : memref<3x16384xi32, #tpu.memory_space<hbm>> -> memref<1x4096xi32, #tpu.memory_space<hbm>>
      tpu.wait_dma2 semaphore(%arg12 : memref<!tpu.dma_semaphore, #tpu.memory_space<semaphore_mem>>) src(%dma_wait3A_56 : memref<1x4096xi32, #tpu.memory_space<hbm>>) dst(%arg8 : memref<1x4096xi32, #tpu.memory_space<vmem>>)
      %dma_start3A_57 = arith.constant 2 : i32
      %dma_start3A_58 = arith.constant 4096 : i32
      %dma_start3A_59 = tpu.memref_slice %arg2[%dma_start3A_57, %dma_start3A_58] : memref<3x16384xi32, #tpu.memory_space<hbm>> -> memref<1x4096xi32, #tpu.memory_space<hbm>>
      %dma_start3A_60 = arith.constant 2 : i32
      %dma_start3A_61 = arith.constant 4096 : i32
      %dma_start3A_62 = tpu.memref_slice %arg2[%dma_start3A_60, %dma_start3A_61] : memref<3x16384xi32, #tpu.memory_space<hbm>> -> memref<1x4096xi32, #tpu.memory_space<hbm>>
      tpu.enqueue_dma source(%dma_start3A_62 : memref<1x4096xi32, #tpu.memory_space<hbm>>) target(%arg9 : memref<1x4096xi32, #tpu.memory_space<vmem>>) target_semaphore(%arg13 : memref<!tpu.dma_semaphore, #tpu.memory_space<semaphore_mem>>)
      %scan3A = arith.constant 0 : i32
      %scan3A_63 = arith.constant 0 : i32
      %scan3A_64 = arith.constant 256 : i32
      %scan3A_65 = arith.addi %scan3A_63, %scan3A_64 : i32
      %scan3A_66 = arith.constant 1 : i32
      %scan3A_67 = scf.for %scan3A_110 = %scan3A_63 to %scan3A_65 step %scan3A_66 iter_args(%scan3A_111 = %scan3A) -> (i32)  : i32 {
        %mul3A_112 = arith.constant 16 : i32
        %mul3A_113 = arith.muli %scan3A_110, %mul3A_112 : i32
        %get3A = arith.constant 0 : i32
        %get3A_114 = arith.index_cast %get3A : i32 to index
        %get3A_115 = arith.index_cast %mul3A_113 : i32 to index
        %get3A_116 = tpu.vector_load %arg8[%get3A_114, %get3A_115] {strides = array<i32>} : memref<1x4096xi32, #tpu.memory_space<vmem>>, vector<16xi32>,
        %gather3A = tpu.vector_load_idx %arg7[%mul3A_3, %get3A_116] : memref<1x100000xf32, #tpu.memory_space<vmem>>[vector<16xi32>, vector<16xi32>], vector<16xf32>,
        %mul3A_117 = arith.constant 16 : i32
        %mul3A_118 = arith.muli %scan3A_110, %mul3A_117 : i32
        %swap3A = arith.constant 0 : i32
        %swap3A_119 = arith.index_cast %swap3A : i32 to index
        %swap3A_120 = arith.index_cast %mul3A_118 : i32 to index
        %swap3A_121 = tpu.vector_load %arg10[%swap3A_119, %swap3A_120] {strides = array<i32>} : memref<1x4096xf32, #tpu.memory_space<vmem>>, vector<16xf32>,
        tpu.vector_store %arg10[%swap3A_119, %swap3A_120], %gather3A {strides = array<i32>} : memref<1x4096xf32, #tpu.memory_space<vmem>>, vector<16xf32>,
        %scan3A_122 = arith.constant 0 : i32
        scf.yield %scan3A_122 : i32
      }
      %scan3A_68 = arith.constant 256 : i32
      %dma_start3A_69 = arith.constant 2 : i32
      %dma_start3A_70 = arith.constant 0 : i32
      %dma_start3A_71 = tpu.memref_slice %arg6[%dma_start3A_69, %shift_right_arithmetic3A_46, %dma_start3A_70] : memref<3x16x16384xf32, #tpu.memory_space<hbm>> -> memref<1x1x4096xf32, #tpu.memory_space<hbm>>
      %dma_start3A_72 = tpu.memref_squeeze %dma_start3A_71 : memref<1x1x4096xf32, #tpu.memory_space<hbm>> -> memref<1x4096xf32, #tpu.memory_space<hbm>>
      %dma_start3A_73 = arith.constant 0 : i32
      %dma_start3A_74 = tpu.memref_slice %arg6[%dma_start3A_69, %shift_right_arithmetic3A_46, %dma_start3A_73] : memref<3x16x16384xf32, #tpu.memory_space<hbm>> -> memref<1x1x4096xf32, #tpu.memory_space<hbm>>
      %dma_start3A_75 = tpu.memref_squeeze %dma_start3A_74 : memref<1x1x4096xf32, #tpu.memory_space<hbm>> -> memref<1x4096xf32, #tpu.memory_space<hbm>>
      tpu.enqueue_dma source(%arg10 : memref<1x4096xf32, #tpu.memory_space<vmem>>) target(%dma_start3A_75 : memref<1x4096xf32, #tpu.memory_space<hbm>>) target_semaphore(%arg14 : memref<!tpu.dma_semaphore, #tpu.memory_space<semaphore_mem>>)
      %dma_wait3A_76 = arith.constant 2 : i32
      %dma_wait3A_77 = arith.constant 4096 : i32
      %dma_wait3A_78 = tpu.memref_slice %arg2[%dma_wait3A_76, %dma_wait3A_77] : memref<3x16384xi32, #tpu.memory_space<hbm>> -> memref<1x4096xi32, #tpu.memory_space<hbm>>
      %dma_wait3A_79 = arith.constant 2 : i32
      %dma_wait3A_80 = arith.constant 4096 : i32
      %dma_wait3A_81 = tpu.memref_slice %arg2[%dma_wait3A_79, %dma_wait3A_80] : memref<3x16384xi32, #tpu.memory_space<hbm>> -> memref<1x4096xi32, #tpu.memory_space<hbm>>
      tpu.wait_dma2 semaphore(%arg13 : memref<!tpu.dma_semaphore, #tpu.memory_space<semaphore_mem>>) src(%dma_wait3A_81 : memref<1x4096xi32, #tpu.memory_space<hbm>>) dst(%arg9 : memref<1x4096xi32, #tpu.memory_space<vmem>>)
      %scan3A_82 = arith.constant 0 : i32
      %scan3A_83 = arith.constant 0 : i32
      %scan3A_84 = arith.constant 256 : i32
      %scan3A_85 = arith.addi %scan3A_83, %scan3A_84 : i32
      %scan3A_86 = arith.constant 1 : i32
      %scan3A_87 = scf.for %scan3A_110 = %scan3A_83 to %scan3A_85 step %scan3A_86 iter_args(%scan3A_111 = %scan3A_82) -> (i32)  : i32 {
        %mul3A_112 = arith.constant 16 : i32
        %mul3A_113 = arith.muli %scan3A_110, %mul3A_112 : i32
        %get3A = arith.constant 0 : i32
        %get3A_114 = arith.index_cast %get3A : i32 to index
        %get3A_115 = arith.index_cast %mul3A_113 : i32 to index
        %get3A_116 = tpu.vector_load %arg9[%get3A_114, %get3A_115] {strides = array<i32>} : memref<1x4096xi32, #tpu.memory_space<vmem>>, vector<16xi32>,
        %gather3A = tpu.vector_load_idx %arg7[%mul3A_3, %get3A_116] : memref<1x100000xf32, #tpu.memory_space<vmem>>[vector<16xi32>, vector<16xi32>], vector<16xf32>,
        %mul3A_117 = arith.constant 16 : i32
        %mul3A_118 = arith.muli %scan3A_110, %mul3A_117 : i32
        %swap3A = arith.constant 0 : i32
        %swap3A_119 = arith.index_cast %swap3A : i32 to index
        %swap3A_120 = arith.index_cast %mul3A_118 : i32 to index
        %swap3A_121 = tpu.vector_load %arg11[%swap3A_119, %swap3A_120] {strides = array<i32>} : memref<1x4096xf32, #tpu.memory_space<vmem>>, vector<16xf32>,
        tpu.vector_store %arg11[%swap3A_119, %swap3A_120], %gather3A {strides = array<i32>} : memref<1x4096xf32, #tpu.memory_space<vmem>>, vector<16xf32>,
        %scan3A_122 = arith.constant 0 : i32
        scf.yield %scan3A_122 : i32
      }
      %scan3A_88 = arith.constant 256 : i32
      %dma_start3A_89 = arith.constant 2 : i32
      %dma_start3A_90 = arith.constant 4096 : i32
      %dma_start3A_91 = tpu.memref_slice %arg6[%dma_start3A_89, %shift_right_arithmetic3A_46, %dma_start3A_90] : memref<3x16x16384xf32, #tpu.memory_space<hbm>> -> memref<1x1x4096xf32, #tpu.memory_space<hbm>>
      %dma_start3A_92 = tpu.memref_squeeze %dma_start3A_91 : memref<1x1x4096xf32, #tpu.memory_space<hbm>> -> memref<1x4096xf32, #tpu.memory_space<hbm>>
      %dma_start3A_93 = arith.constant 4096 : i32
      %dma_start3A_94 = tpu.memref_slice %arg6[%dma_start3A_89, %shift_right_arithmetic3A_46, %dma_start3A_93] : memref<3x16x16384xf32, #tpu.memory_space<hbm>> -> memref<1x1x4096xf32, #tpu.memory_space<hbm>>
      %dma_start3A_95 = tpu.memref_squeeze %dma_start3A_94 : memref<1x1x4096xf32, #tpu.memory_space<hbm>> -> memref<1x4096xf32, #tpu.memory_space<hbm>>
      tpu.enqueue_dma source(%arg11 : memref<1x4096xf32, #tpu.memory_space<vmem>>) target(%dma_start3A_95 : memref<1x4096xf32, #tpu.memory_space<hbm>>) target_semaphore(%arg15 : memref<!tpu.dma_semaphore, #tpu.memory_space<semaphore_mem>>)
      %dma_wait3A_96 = arith.constant 2 : i32
      %dma_wait3A_97 = arith.constant 0 : i32
      %dma_wait3A_98 = tpu.memref_slice %arg6[%dma_wait3A_96, %shift_right_arithmetic3A_46, %dma_wait3A_97] : memref<3x16x16384xf32, #tpu.memory_space<hbm>> -> memref<1x1x4096xf32, #tpu.memory_space<hbm>>
      %dma_wait3A_99 = tpu.memref_squeeze %dma_wait3A_98 : memref<1x1x4096xf32, #tpu.memory_space<hbm>> -> memref<1x4096xf32, #tpu.memory_space<hbm>>
      %dma_wait3A_100 = arith.constant 0 : i32
      %dma_wait3A_101 = tpu.memref_slice %arg6[%dma_wait3A_96, %shift_right_arithmetic3A_46, %dma_wait3A_100] : memref<3x16x16384xf32, #tpu.memory_space<hbm>> -> memref<1x1x4096xf32, #tpu.memory_space<hbm>>
      %dma_wait3A_102 = tpu.memref_squeeze %dma_wait3A_101 : memref<1x1x4096xf32, #tpu.memory_space<hbm>> -> memref<1x4096xf32, #tpu.memory_space<hbm>>
      tpu.wait_dma2 semaphore(%arg14 : memref<!tpu.dma_semaphore, #tpu.memory_space<semaphore_mem>>) src(%arg10 : memref<1x4096xf32, #tpu.memory_space<vmem>>) dst(%dma_wait3A_102 : memref<1x4096xf32, #tpu.memory_space<hbm>>)
      %dma_wait3A_103 = arith.constant 2 : i32
      %dma_wait3A_104 = arith.constant 4096 : i32
      %dma_wait3A_105 = tpu.memref_slice %arg6[%dma_wait3A_103, %shift_right_arithmetic3A_46, %dma_wait3A_104] : memref<3x16x16384xf32, #tpu.memory_space<hbm>> -> memref<1x1x4096xf32, #tpu.memory_space<hbm>>
      %dma_wait3A_106 = tpu.memref_squeeze %dma_wait3A_105 : memref<1x1x4096xf32, #tpu.memory_space<hbm>> -> memref<1x4096xf32, #tpu.memory_space<hbm>>
      %dma_wait3A_107 = arith.constant 4096 : i32
      %dma_wait3A_108 = tpu.memref_slice %arg6[%dma_wait3A_103, %shift_right_arithmetic3A_46, %dma_wait3A_107] : memref<3x16x16384xf32, #tpu.memory_space<hbm>> -> memref<1x1x4096xf32, #tpu.memory_space<hbm>>
      %dma_wait3A_109 = tpu.memref_squeeze %dma_wait3A_108 : memref<1x1x4096xf32, #tpu.memory_space<hbm>> -> memref<1x4096xf32, #tpu.memory_space<hbm>>
      tpu.wait_dma2 semaphore(%arg15 : memref<!tpu.dma_semaphore, #tpu.memory_space<semaphore_mem>>) src(%arg11 : memref<1x4096xf32, #tpu.memory_space<vmem>>) dst(%dma_wait3A_109 : memref<1x4096xf32, #tpu.memory_space<hbm>>)
    } else {
    }
    %jit3A_25 = arith.constant 2 : i32
    %eq3A_26 = arith.constant 0 : i32
    %eq3A_27 = arith.cmpi eq, %jit3A_25, %eq3A_26 : i32
    %jit3A_28 = arith.constant 1 : i32
    %select_n3A_29 = arith.select %eq3A_27, %jit3A_28, %jit3A_25 : i32
    %rem3A_30 = arith.remsi %add3A, %select_n3A_29 : i32
    %ne3A_31 = arith.constant 0 : i32
    %ne3A_32 = arith.cmpi ne, %rem3A_30, %ne3A_31 : i32
    %lt3A_33 = arith.constant 0 : i32
    %lt3A_34 = arith.cmpi slt, %rem3A_30, %lt3A_33 : i32
    %lt3A_35 = arith.constant 0 : i32
    %lt3A_36 = arith.cmpi slt, %select_n3A_29, %lt3A_35 : i32
    %ne3A_37 = arith.xori %lt3A_34, %lt3A_36 : i1
    %and3A_38 = arith.andi %ne3A_37, %ne3A_32 : i1
    %add3A_39 = arith.addi %rem3A_30, %select_n3A_29 : i32
    %select_n3A_40 = arith.select %and3A_38, %add3A_39, %rem3A_30 : i32
    %eq3A_41 = arith.constant 1 : i32
    %eq3A_42 = arith.cmpi eq, %select_n3A_40, %eq3A_41 : i32
    %convert_element_type3A_43 = arith.extui %eq3A_42 : i1 to i32
    %cond3A_44 = arith.constant 0 : i32
    %cond3A_45 = arith.cmpi ne, %convert_element_type3A_43, %cond3A_44 : i32
    scf.if %cond3A_45 {
      %shift_right_arithmetic3A = arith.constant 1 : i32
      %shift_right_arithmetic3A_46 = arith.shrsi %add3A, %shift_right_arithmetic3A : i32
      %dma_start3A = arith.constant 2 : i32
      %dma_start3A_47 = arith.constant 8192 : i32
      %dma_start3A_48 = tpu.memref_slice %arg2[%dma_start3A, %dma_start3A_47] : memref<3x16384xi32, #tpu.memory_space<hbm>> -> memref<1x4096xi32, #tpu.memory_space<hbm>>
      %dma_start3A_49 = arith.constant 2 : i32
      %dma_start3A_50 = arith.constant 8192 : i32
      %dma_start3A_51 = tpu.memref_slice %arg2[%dma_start3A_49, %dma_start3A_50] : memref<3x16384xi32, #tpu.memory_space<hbm>> -> memref<1x4096xi32, #tpu.memory_space<hbm>>
      tpu.enqueue_dma source(%dma_start3A_51 : memref<1x4096xi32, #tpu.memory_space<hbm>>) target(%arg8 : memref<1x4096xi32, #tpu.memory_space<vmem>>) target_semaphore(%arg12 : memref<!tpu.dma_semaphore, #tpu.memory_space<semaphore_mem>>)
      "tpu.region"() ({
        %run_scoped3A = tpu.sem_alloc : memref<!tpu.dma_semaphore, #tpu.memory_space<semaphore_mem>>
        %dma_start3A_110 = arith.constant 0 : i32
        %dma_start3A_111 = tpu.memref_slice %arg5[%shift_right_arithmetic3A_46, %dma_start3A_110] : memref<16x100000xf32, #tpu.memory_space<hbm>> -> memref<1x100000xf32, #tpu.memory_space<hbm>>
        %dma_start3A_112 = arith.constant 0 : i32
        %dma_start3A_113 = tpu.memref_slice %arg5[%shift_right_arithmetic3A_46, %dma_start3A_112] : memref<16x100000xf32, #tpu.memory_space<hbm>> -> memref<1x100000xf32, #tpu.memory_space<hbm>>
        tpu.enqueue_dma source(%dma_start3A_113 : memref<1x100000xf32, #tpu.memory_space<hbm>>) target(%arg7 : memref<1x100000xf32, #tpu.memory_space<vmem>>) target_semaphore(%run_scoped3A : memref<!tpu.dma_semaphore, #tpu.memory_space<semaphore_mem>>)
        %dma_wait3A_114 = arith.constant 0 : i32
        %dma_wait3A_115 = tpu.memref_slice %arg5[%shift_right_arithmetic3A_46, %dma_wait3A_114] : memref<16x100000xf32, #tpu.memory_space<hbm>> -> memref<1x100000xf32, #tpu.memory_space<hbm>>
        %dma_wait3A_116 = arith.constant 0 : i32
        %dma_wait3A_117 = tpu.memref_slice %arg5[%shift_right_arithmetic3A_46, %dma_wait3A_116] : memref<16x100000xf32, #tpu.memory_space<hbm>> -> memref<1x100000xf32, #tpu.memory_space<hbm>>
        tpu.wait_dma2 semaphore(%run_scoped3A : memref<!tpu.dma_semaphore, #tpu.memory_space<semaphore_mem>>) src(%dma_wait3A_117 : memref<1x100000xf32, #tpu.memory_space<hbm>>) dst(%arg7 : memref<1x100000xf32, #tpu.memory_space<vmem>>)
        tpu.yield
      }) : () -> ()
      %dma_wait3A = arith.constant 2 : i32
      %dma_wait3A_52 = arith.constant 8192 : i32
      %dma_wait3A_53 = tpu.memref_slice %arg2[%dma_wait3A, %dma_wait3A_52] : memref<3x16384xi32, #tpu.memory_space<hbm>> -> memref<1x4096xi32, #tpu.memory_space<hbm>>
      %dma_wait3A_54 = arith.constant 2 : i32
      %dma_wait3A_55 = arith.constant 8192 : i32
      %dma_wait3A_56 = tpu.memref_slice %arg2[%dma_wait3A_54, %dma_wait3A_55] : memref<3x16384xi32, #tpu.memory_space<hbm>> -> memref<1x4096xi32, #tpu.memory_space<hbm>>
      tpu.wait_dma2 semaphore(%arg12 : memref<!tpu.dma_semaphore, #tpu.memory_space<semaphore_mem>>) src(%dma_wait3A_56 : memref<1x4096xi32, #tpu.memory_space<hbm>>) dst(%arg8 : memref<1x4096xi32, #tpu.memory_space<vmem>>)
      %dma_start3A_57 = arith.constant 2 : i32
      %dma_start3A_58 = arith.constant 12288 : i32
      %dma_start3A_59 = tpu.memref_slice %arg2[%dma_start3A_57, %dma_start3A_58] : memref<3x16384xi32, #tpu.memory_space<hbm>> -> memref<1x4096xi32, #tpu.memory_space<hbm>>
      %dma_start3A_60 = arith.constant 2 : i32
      %dma_start3A_61 = arith.constant 12288 : i32
      %dma_start3A_62 = tpu.memref_slice %arg2[%dma_start3A_60, %dma_start3A_61] : memref<3x16384xi32, #tpu.memory_space<hbm>> -> memref<1x4096xi32, #tpu.memory_space<hbm>>
      tpu.enqueue_dma source(%dma_start3A_62 : memref<1x4096xi32, #tpu.memory_space<hbm>>) target(%arg9 : memref<1x4096xi32, #tpu.memory_space<vmem>>) target_semaphore(%arg13 : memref<!tpu.dma_semaphore, #tpu.memory_space<semaphore_mem>>)
      %scan3A = arith.constant 0 : i32
      %scan3A_63 = arith.constant 0 : i32
      %scan3A_64 = arith.constant 256 : i32
      %scan3A_65 = arith.addi %scan3A_63, %scan3A_64 : i32
      %scan3A_66 = arith.constant 1 : i32
      %scan3A_67 = scf.for %scan3A_110 = %scan3A_63 to %scan3A_65 step %scan3A_66 iter_args(%scan3A_111 = %scan3A) -> (i32)  : i32 {
        %mul3A_112 = arith.constant 16 : i32
        %mul3A_113 = arith.muli %scan3A_110, %mul3A_112 : i32
        %get3A = arith.constant 0 : i32
        %get3A_114 = arith.index_cast %get3A : i32 to index
        %get3A_115 = arith.index_cast %mul3A_113 : i32 to index
        %get3A_116 = tpu.vector_load %arg8[%get3A_114, %get3A_115] {strides = array<i32>} : memref<1x4096xi32, #tpu.memory_space<vmem>>, vector<16xi32>,
        %gather3A = tpu.vector_load_idx %arg7[%mul3A_3, %get3A_116] : memref<1x100000xf32, #tpu.memory_space<vmem>>[vector<16xi32>, vector<16xi32>], vector<16xf32>,
        %mul3A_117 = arith.constant 16 : i32
        %mul3A_118 = arith.muli %scan3A_110, %mul3A_117 : i32
        %swap3A = arith.constant 0 : i32
        %swap3A_119 = arith.index_cast %swap3A : i32 to index
        %swap3A_120 = arith.index_cast %mul3A_118 : i32 to index
        %swap3A_121 = tpu.vector_load %arg10[%swap3A_119, %swap3A_120] {strides = array<i32>} : memref<1x4096xf32, #tpu.memory_space<vmem>>, vector<16xf32>,
        tpu.vector_store %arg10[%swap3A_119, %swap3A_120], %gather3A {strides = array<i32>} : memref<1x4096xf32, #tpu.memory_space<vmem>>, vector<16xf32>,
        %scan3A_122 = arith.constant 0 : i32
        scf.yield %scan3A_122 : i32
      }
      %scan3A_68 = arith.constant 256 : i32
      %dma_start3A_69 = arith.constant 2 : i32
      %dma_start3A_70 = arith.constant 8192 : i32
      %dma_start3A_71 = tpu.memref_slice %arg6[%dma_start3A_69, %shift_right_arithmetic3A_46, %dma_start3A_70] : memref<3x16x16384xf32, #tpu.memory_space<hbm>> -> memref<1x1x4096xf32, #tpu.memory_space<hbm>>
      %dma_start3A_72 = tpu.memref_squeeze %dma_start3A_71 : memref<1x1x4096xf32, #tpu.memory_space<hbm>> -> memref<1x4096xf32, #tpu.memory_space<hbm>>
      %dma_start3A_73 = arith.constant 8192 : i32
      %dma_start3A_74 = tpu.memref_slice %arg6[%dma_start3A_69, %shift_right_arithmetic3A_46, %dma_start3A_73] : memref<3x16x16384xf32, #tpu.memory_space<hbm>> -> memref<1x1x4096xf32, #tpu.memory_space<hbm>>
      %dma_start3A_75 = tpu.memref_squeeze %dma_start3A_74 : memref<1x1x4096xf32, #tpu.memory_space<hbm>> -> memref<1x4096xf32, #tpu.memory_space<hbm>>
      tpu.enqueue_dma source(%arg10 : memref<1x4096xf32, #tpu.memory_space<vmem>>) target(%dma_start3A_75 : memref<1x4096xf32, #tpu.memory_space<hbm>>) target_semaphore(%arg14 : memref<!tpu.dma_semaphore, #tpu.memory_space<semaphore_mem>>)
      %dma_wait3A_76 = arith.constant 2 : i32
      %dma_wait3A_77 = arith.constant 12288 : i32
      %dma_wait3A_78 = tpu.memref_slice %arg2[%dma_wait3A_76, %dma_wait3A_77] : memref<3x16384xi32, #tpu.memory_space<hbm>> -> memref<1x4096xi32, #tpu.memory_space<hbm>>
      %dma_wait3A_79 = arith.constant 2 : i32
      %dma_wait3A_80 = arith.constant 12288 : i32
      %dma_wait3A_81 = tpu.memref_slice %arg2[%dma_wait3A_79, %dma_wait3A_80] : memref<3x16384xi32, #tpu.memory_space<hbm>> -> memref<1x4096xi32, #tpu.memory_space<hbm>>
      tpu.wait_dma2 semaphore(%arg13 : memref<!tpu.dma_semaphore, #tpu.memory_space<semaphore_mem>>) src(%dma_wait3A_81 : memref<1x4096xi32, #tpu.memory_space<hbm>>) dst(%arg9 : memref<1x4096xi32, #tpu.memory_space<vmem>>)
      %scan3A_82 = arith.constant 0 : i32
      %scan3A_83 = arith.constant 0 : i32
      %scan3A_84 = arith.constant 256 : i32
      %scan3A_85 = arith.addi %scan3A_83, %scan3A_84 : i32
      %scan3A_86 = arith.constant 1 : i32
      %scan3A_87 = scf.for %scan3A_110 = %scan3A_83 to %scan3A_85 step %scan3A_86 iter_args(%scan3A_111 = %scan3A_82) -> (i32)  : i32 {
        %mul3A_112 = arith.constant 16 : i32
        %mul3A_113 = arith.muli %scan3A_110, %mul3A_112 : i32
        %get3A = arith.constant 0 : i32
        %get3A_114 = arith.index_cast %get3A : i32 to index
        %get3A_115 = arith.index_cast %mul3A_113 : i32 to index
        %get3A_116 = tpu.vector_load %arg9[%get3A_114, %get3A_115] {strides = array<i32>} : memref<1x4096xi32, #tpu.memory_space<vmem>>, vector<16xi32>,
        %gather3A = tpu.vector_load_idx %arg7[%mul3A_3, %get3A_116] : memref<1x100000xf32, #tpu.memory_space<vmem>>[vector<16xi32>, vector<16xi32>], vector<16xf32>,
        %mul3A_117 = arith.constant 16 : i32
        %mul3A_118 = arith.muli %scan3A_110, %mul3A_117 : i32
        %swap3A = arith.constant 0 : i32
        %swap3A_119 = arith.index_cast %swap3A : i32 to index
        %swap3A_120 = arith.index_cast %mul3A_118 : i32 to index
        %swap3A_121 = tpu.vector_load %arg11[%swap3A_119, %swap3A_120] {strides = array<i32>} : memref<1x4096xf32, #tpu.memory_space<vmem>>, vector<16xf32>,
        tpu.vector_store %arg11[%swap3A_119, %swap3A_120], %gather3A {strides = array<i32>} : memref<1x4096xf32, #tpu.memory_space<vmem>>, vector<16xf32>,
        %scan3A_122 = arith.constant 0 : i32
        scf.yield %scan3A_122 : i32
      }
      %scan3A_88 = arith.constant 256 : i32
      %dma_start3A_89 = arith.constant 2 : i32
      %dma_start3A_90 = arith.constant 12288 : i32
      %dma_start3A_91 = tpu.memref_slice %arg6[%dma_start3A_89, %shift_right_arithmetic3A_46, %dma_start3A_90] : memref<3x16x16384xf32, #tpu.memory_space<hbm>> -> memref<1x1x4096xf32, #tpu.memory_space<hbm>>
      %dma_start3A_92 = tpu.memref_squeeze %dma_start3A_91 : memref<1x1x4096xf32, #tpu.memory_space<hbm>> -> memref<1x4096xf32, #tpu.memory_space<hbm>>
      %dma_start3A_93 = arith.constant 12288 : i32
      %dma_start3A_94 = tpu.memref_slice %arg6[%dma_start3A_89, %shift_right_arithmetic3A_46, %dma_start3A_93] : memref<3x16x16384xf32, #tpu.memory_space<hbm>> -> memref<1x1x4096xf32, #tpu.memory_space<hbm>>
      %dma_start3A_95 = tpu.memref_squeeze %dma_start3A_94 : memref<1x1x4096xf32, #tpu.memory_space<hbm>> -> memref<1x4096xf32, #tpu.memory_space<hbm>>
      tpu.enqueue_dma source(%arg11 : memref<1x4096xf32, #tpu.memory_space<vmem>>) target(%dma_start3A_95 : memref<1x4096xf32, #tpu.memory_space<hbm>>) target_semaphore(%arg15 : memref<!tpu.dma_semaphore, #tpu.memory_space<semaphore_mem>>)
      %dma_wait3A_96 = arith.constant 2 : i32
      %dma_wait3A_97 = arith.constant 8192 : i32
      %dma_wait3A_98 = tpu.memref_slice %arg6[%dma_wait3A_96, %shift_right_arithmetic3A_46, %dma_wait3A_97] : memref<3x16x16384xf32, #tpu.memory_space<hbm>> -> memref<1x1x4096xf32, #tpu.memory_space<hbm>>
      %dma_wait3A_99 = tpu.memref_squeeze %dma_wait3A_98 : memref<1x1x4096xf32, #tpu.memory_space<hbm>> -> memref<1x4096xf32, #tpu.memory_space<hbm>>
      %dma_wait3A_100 = arith.constant 8192 : i32
      %dma_wait3A_101 = tpu.memref_slice %arg6[%dma_wait3A_96, %shift_right_arithmetic3A_46, %dma_wait3A_100] : memref<3x16x16384xf32, #tpu.memory_space<hbm>> -> memref<1x1x4096xf32, #tpu.memory_space<hbm>>
      %dma_wait3A_102 = tpu.memref_squeeze %dma_wait3A_101 : memref<1x1x4096xf32, #tpu.memory_space<hbm>> -> memref<1x4096xf32, #tpu.memory_space<hbm>>
      tpu.wait_dma2 semaphore(%arg14 : memref<!tpu.dma_semaphore, #tpu.memory_space<semaphore_mem>>) src(%arg10 : memref<1x4096xf32, #tpu.memory_space<vmem>>) dst(%dma_wait3A_102 : memref<1x4096xf32, #tpu.memory_space<hbm>>)
      %dma_wait3A_103 = arith.constant 2 : i32
      %dma_wait3A_104 = arith.constant 12288 : i32
      %dma_wait3A_105 = tpu.memref_slice %arg6[%dma_wait3A_103, %shift_right_arithmetic3A_46, %dma_wait3A_104] : memref<3x16x16384xf32, #tpu.memory_space<hbm>> -> memref<1x1x4096xf32, #tpu.memory_space<hbm>>
      %dma_wait3A_106 = tpu.memref_squeeze %dma_wait3A_105 : memref<1x1x4096xf32, #tpu.memory_space<hbm>> -> memref<1x4096xf32, #tpu.memory_space<hbm>>
      %dma_wait3A_107 = arith.constant 12288 : i32
      %dma_wait3A_108 = tpu.memref_slice %arg6[%dma_wait3A_103, %shift_right_arithmetic3A_46, %dma_wait3A_107] : memref<3x16x16384xf32, #tpu.memory_space<hbm>> -> memref<1x1x4096xf32, #tpu.memory_space<hbm>>
      %dma_wait3A_109 = tpu.memref_squeeze %dma_wait3A_108 : memref<1x1x4096xf32, #tpu.memory_space<hbm>> -> memref<1x4096xf32, #tpu.memory_space<hbm>>
      tpu.wait_dma2 semaphore(%arg15 : memref<!tpu.dma_semaphore, #tpu.memory_space<semaphore_mem>>) src(%arg11 : memref<1x4096xf32, #tpu.memory_space<vmem>>) dst(%dma_wait3A_109 : memref<1x4096xf32, #tpu.memory_space<hbm>>)
    } else {
    }
    return
  }
}

module attributes {stable_mosaic.version = 14 : i64} {
  func.func @body(%arg0: i32, %arg1: memref<7x8192xf32, #tpu.memory_space<vmem>>, %arg2: memref<3x16x8192xf32, #tpu.memory_space<vmem>>, %arg3: memref<100x55xf32, #tpu.memory_space<vmem>>, %arg4: memref<100xf32, #tpu.memory_space<vmem>>, %arg5: memref<100x100xf32, #tpu.memory_space<vmem>>, %arg6: memref<100xf32, #tpu.memory_space<vmem>>, %arg7: memref<1x100xf32, #tpu.memory_space<vmem>>, %arg8: memref<1x100xf32, #tpu.memory_space<vmem>>, %arg9: memref<1xf32, #tpu.memory_space<vmem>>, %arg10: memref<1xf32, #tpu.memory_space<vmem>>, %arg11: memref<8x8192xf32, #tpu.memory_space<vmem>>) attributes {dimension_semantics = [#tpu.dimension_semantics<arbitrary>], iteration_bounds = array<i64: 2>, scalar_prefetch = 0 : i64, scratch_operands = 0 : i64, tpu.core_type = #tpu.core_type<tc>, window_params = [{transform_indices = @transform_0, window_bounds = array<i64: 7, 8192>}, {transform_indices = @transform_1, window_bounds = array<i64: 3, 16, 8192>}, {pipeline_mode = #tpu.pipeline_mode<synchronous>, transform_indices = @transform_2, window_bounds = array<i64: 100, 55>}, {pipeline_mode = #tpu.pipeline_mode<synchronous>, transform_indices = @transform_3, window_bounds = array<i64: 100>}, {pipeline_mode = #tpu.pipeline_mode<synchronous>, transform_indices = @transform_4, window_bounds = array<i64: 100, 100>}, {pipeline_mode = #tpu.pipeline_mode<synchronous>, transform_indices = @transform_5, window_bounds = array<i64: 100>}, {pipeline_mode = #tpu.pipeline_mode<synchronous>, transform_indices = @transform_6, window_bounds = array<i64: 1, 100>}, {pipeline_mode = #tpu.pipeline_mode<synchronous>, transform_indices = @transform_7, window_bounds = array<i64: 1, 100>}, {pipeline_mode = #tpu.pipeline_mode<synchronous>, transform_indices = @transform_8, window_bounds = array<i64: 1>}, {pipeline_mode = #tpu.pipeline_mode<synchronous>, transform_indices = @transform_9, window_bounds = array<i64: 1>}, {transform_indices = @transform_10, window_bounds = array<i64: 8, 8192>}]} {
    %get3A = arith.constant 0 : index
    %get3A_0 = arith.constant 0 : index
    %get3A_1 = vector.load %arg3[%get3A, %get3A_0] : memref<100x55xf32, #tpu.memory_space<vmem>>, vector<100x7xf32>
    %get3A_2 = arith.constant 0 : index
    %get3A_3 = arith.constant 0 : index
    %get3A_4 = vector.load %arg1[%get3A_2, %get3A_3] : memref<7x8192xf32, #tpu.memory_space<vmem>>, vector<7x8192xf32>
    %dot_general3A = arith.constant dense<0.000000e+00> : vector<100x8192xf32>
    %dot_general3A_5 = tpu.matmul %get3A_1, %get3A_4, %dot_general3A {dimension_numbers = #tpu.dot_dimension_numbers<[1], [0], [0], [1], [0, 0, 1, 1], [], []>, transpose_lhs_hint = false} : vector<100x7xf32>, vector<7x8192xf32>, vector<100x8192xf32> -> vector<100x8192xf32>
    %get3A_6 = arith.constant 0 : index
    %get3A_7 = arith.constant 7 : index
    %get3A_8 = vector.load %arg3[%get3A_6, %get3A_7] : memref<100x55xf32, #tpu.memory_space<vmem>>, vector<100x16xf32>
    %get3A_9 = arith.constant 0 : index
    %get3A_10 = arith.constant 0 : index
    %get3A_11 = arith.constant 0 : index
    %get3A_12 = vector.load %arg2[%get3A_9, %get3A_10, %get3A_11] : memref<3x16x8192xf32, #tpu.memory_space<vmem>>, vector<1x16x8192xf32>
    %get3A_13 = vector.shape_cast %get3A_12 : vector<1x16x8192xf32> to vector<16x8192xf32>
    %dot_general3A_14 = arith.constant dense<0.000000e+00> : vector<100x8192xf32>
    %dot_general3A_15 = tpu.matmul %get3A_8, %get3A_13, %dot_general3A_14 {dimension_numbers = #tpu.dot_dimension_numbers<[1], [0], [0], [1], [0, 0, 1, 1], [], []>, transpose_lhs_hint = false} : vector<100x16xf32>, vector<16x8192xf32>, vector<100x8192xf32> -> vector<100x8192xf32>
    %add3A = arith.addf %dot_general3A_5, %dot_general3A_15 : vector<100x8192xf32>
    %get3A_16 = arith.constant 0 : index
    %get3A_17 = arith.constant 23 : index
    %get3A_18 = vector.load %arg3[%get3A_16, %get3A_17] : memref<100x55xf32, #tpu.memory_space<vmem>>, vector<100x16xf32>
    %get3A_19 = arith.constant 1 : index
    %get3A_20 = arith.constant 0 : index
    %get3A_21 = arith.constant 0 : index
    %get3A_22 = vector.load %arg2[%get3A_19, %get3A_20, %get3A_21] : memref<3x16x8192xf32, #tpu.memory_space<vmem>>, vector<1x16x8192xf32>
    %get3A_23 = vector.shape_cast %get3A_22 : vector<1x16x8192xf32> to vector<16x8192xf32>
    %dot_general3A_24 = arith.constant dense<0.000000e+00> : vector<100x8192xf32>
    %dot_general3A_25 = tpu.matmul %get3A_18, %get3A_23, %dot_general3A_24 {dimension_numbers = #tpu.dot_dimension_numbers<[1], [0], [0], [1], [0, 0, 1, 1], [], []>, transpose_lhs_hint = false} : vector<100x16xf32>, vector<16x8192xf32>, vector<100x8192xf32> -> vector<100x8192xf32>
    %add3A_26 = arith.addf %add3A, %dot_general3A_25 : vector<100x8192xf32>
    %get3A_27 = arith.constant 0 : index
    %get3A_28 = arith.constant 39 : index
    %get3A_29 = vector.load %arg3[%get3A_27, %get3A_28] : memref<100x55xf32, #tpu.memory_space<vmem>>, vector<100x16xf32>
    %get3A_30 = arith.constant 2 : index
    %get3A_31 = arith.constant 0 : index
    %get3A_32 = arith.constant 0 : index
    %get3A_33 = vector.load %arg2[%get3A_30, %get3A_31, %get3A_32] : memref<3x16x8192xf32, #tpu.memory_space<vmem>>, vector<1x16x8192xf32>
    %get3A_34 = vector.shape_cast %get3A_33 : vector<1x16x8192xf32> to vector<16x8192xf32>
    %dot_general3A_35 = arith.constant dense<0.000000e+00> : vector<100x8192xf32>
    %dot_general3A_36 = tpu.matmul %get3A_29, %get3A_34, %dot_general3A_35 {dimension_numbers = #tpu.dot_dimension_numbers<[1], [0], [0], [1], [0, 0, 1, 1], [], []>, transpose_lhs_hint = false} : vector<100x16xf32>, vector<16x8192xf32>, vector<100x8192xf32> -> vector<100x8192xf32>
    %add3A_37 = arith.addf %add3A_26, %dot_general3A_36 : vector<100x8192xf32>
    %get3A_38 = arith.constant 0 : index
    %get3A_39 = vector.load %arg4[%get3A_38] : memref<100xf32, #tpu.memory_space<vmem>>, vector<100xf32>
    %broadcast_in_dim3A = vector.shape_cast %get3A_39 : vector<100xf32> to vector<100x1xf32>
    %add3A_40 = vector.broadcast %broadcast_in_dim3A : vector<100x1xf32> to vector<100x8192xf32>
    %add3A_41 = arith.addf %add3A_37, %add3A_40 : vector<100x8192xf32>
    %max3A = arith.constant 0.000000e+00 : f32
    %max3A_42 = vector.broadcast %max3A : f32 to vector<100x8192xf32>
    %max3A_43 = arith.maximumf %add3A_41, %max3A_42 : vector<100x8192xf32>
    %get3A_44 = arith.constant 0 : index
    %get3A_45 = arith.constant 0 : index
    %get3A_46 = vector.load %arg5[%get3A_44, %get3A_45] : memref<100x100xf32, #tpu.memory_space<vmem>>, vector<100x100xf32>
    %dot_general3A_47 = arith.constant dense<0.000000e+00> : vector<100x8192xf32>
    %dot_general3A_48 = tpu.matmul %get3A_46, %max3A_43, %dot_general3A_47 {dimension_numbers = #tpu.dot_dimension_numbers<[1], [0], [0], [1], [0, 0, 1, 1], [], []>, transpose_lhs_hint = false} : vector<100x100xf32>, vector<100x8192xf32>, vector<100x8192xf32> -> vector<100x8192xf32>
    %get3A_49 = arith.constant 0 : index
    %get3A_50 = vector.load %arg6[%get3A_49] : memref<100xf32, #tpu.memory_space<vmem>>, vector<100xf32>
    %broadcast_in_dim3A_51 = vector.shape_cast %get3A_50 : vector<100xf32> to vector<100x1xf32>
    %add3A_52 = vector.broadcast %broadcast_in_dim3A_51 : vector<100x1xf32> to vector<100x8192xf32>
    %add3A_53 = arith.addf %dot_general3A_48, %add3A_52 : vector<100x8192xf32>
    %max3A_54 = arith.constant 0.000000e+00 : f32
    %max3A_55 = vector.broadcast %max3A_54 : f32 to vector<100x8192xf32>
    %max3A_56 = arith.maximumf %add3A_53, %max3A_55 : vector<100x8192xf32>
    %get3A_57 = arith.constant 0 : index
    %get3A_58 = arith.constant 0 : index
    %get3A_59 = vector.load %arg7[%get3A_57, %get3A_58] : memref<1x100xf32, #tpu.memory_space<vmem>>, vector<1x100xf32>
    %get3A_60 = arith.constant 0 : index
    %get3A_61 = arith.constant 0 : index
    %get3A_62 = vector.load %arg8[%get3A_60, %get3A_61] : memref<1x100xf32, #tpu.memory_space<vmem>>, vector<1x100xf32>
    %broadcast_in_dim3A_63 = arith.constant 0.000000e+00 : f32
    %broadcast_in_dim3A_64 = vector.broadcast %broadcast_in_dim3A_63 : f32 to vector<6x100xf32>
    %concatenate3A = tpu.concatenate %get3A_59, %get3A_62, %broadcast_in_dim3A_64 in 0 : vector<1x100xf32>, vector<1x100xf32>, vector<6x100xf32> -> vector<8x100xf32>
    %get3A_65 = arith.constant 0 : index
    %get3A_66 = vector.load %arg9[%get3A_65] : memref<1xf32, #tpu.memory_space<vmem>>, vector<1xf32>
    %get3A_67 = arith.constant 0 : index
    %get3A_68 = vector.load %arg10[%get3A_67] : memref<1xf32, #tpu.memory_space<vmem>>, vector<1xf32>
    %broadcast_in_dim3A_69 = arith.constant 0.000000e+00 : f32
    %broadcast_in_dim3A_70 = vector.broadcast %broadcast_in_dim3A_69 : f32 to vector<6xf32>
    %concatenate3A_71 = tpu.concatenate %get3A_66, %get3A_68, %broadcast_in_dim3A_70 in 0 : vector<1xf32>, vector<1xf32>, vector<6xf32> -> vector<8xf32>
    %dot_general3A_72 = arith.constant dense<0.000000e+00> : vector<8x8192xf32>
    %dot_general3A_73 = tpu.matmul %concatenate3A, %max3A_56, %dot_general3A_72 {dimension_numbers = #tpu.dot_dimension_numbers<[1], [0], [0], [1], [0, 0, 1, 1], [], []>, transpose_lhs_hint = false} : vector<8x100xf32>, vector<100x8192xf32>, vector<8x8192xf32> -> vector<8x8192xf32>
    %broadcast_in_dim3A_74 = vector.shape_cast %concatenate3A_71 : vector<8xf32> to vector<8x1xf32>
    %add3A_75 = vector.broadcast %broadcast_in_dim3A_74 : vector<8x1xf32> to vector<8x8192xf32>
    %add3A_76 = arith.addf %dot_general3A_73, %add3A_75 : vector<8x8192xf32>
    %max3A_77 = arith.constant 0.000000e+00 : f32
    %max3A_78 = vector.broadcast %max3A_77 : f32 to vector<8x8192xf32>
    %max3A_79 = arith.maximumf %add3A_76, %max3A_78 : vector<8x8192xf32>
    %swap3A = arith.constant 0 : index
    %swap3A_80 = arith.constant 0 : index
    %swap3A_81 = vector.load %arg11[%swap3A, %swap3A_80] : memref<8x8192xf32, #tpu.memory_space<vmem>>, vector<8x8192xf32>
    tpu.vector_store %arg11[%swap3A, %swap3A_80], %max3A_79 {strides = array<i32>} : memref<8x8192xf32, #tpu.memory_space<vmem>>, vector<8x8192xf32>,
    return
  }
  func.func @transform_0(%arg0: i32) -> (i32, i32) {
    %c0_i32 = arith.constant 0 : i32
    %c0_i32_0 = arith.constant 0 : i32
    return %c0_i32, %arg0 : i32, i32
  }
  func.func @transform_1(%arg0: i32) -> (i32, i32, i32) {
    %c0_i32 = arith.constant 0 : i32
    %c0_i32_0 = arith.constant 0 : i32
    %c0_i32_1 = arith.constant 0 : i32
    return %c0_i32, %c0_i32_0, %arg0 : i32, i32, i32
  }
  func.func @transform_2(%arg0: i32) -> (i32, i32) {
    %c0_i32 = arith.constant 0 : i32
    %c0_i32_0 = arith.constant 0 : i32
    %c0_i32_1 = arith.constant 0 : i32
    return %c0_i32, %c0_i32_0 : i32, i32
  }
  func.func @transform_3(%arg0: i32) -> i32 {
    %c0_i32 = arith.constant 0 : i32
    %c0_i32_0 = arith.constant 0 : i32
    return %c0_i32 : i32
  }
  func.func @transform_4(%arg0: i32) -> (i32, i32) {
    %c0_i32 = arith.constant 0 : i32
    %c0_i32_0 = arith.constant 0 : i32
    %c0_i32_1 = arith.constant 0 : i32
    return %c0_i32, %c0_i32_0 : i32, i32
  }
  func.func @transform_5(%arg0: i32) -> i32 {
    %c0_i32 = arith.constant 0 : i32
    %c0_i32_0 = arith.constant 0 : i32
    return %c0_i32 : i32
  }
  func.func @transform_6(%arg0: i32) -> (i32, i32) {
    %c0_i32 = arith.constant 0 : i32
    %c0_i32_0 = arith.constant 0 : i32
    %c0_i32_1 = arith.constant 0 : i32
    return %c0_i32, %c0_i32_0 : i32, i32
  }
  func.func @transform_7(%arg0: i32) -> (i32, i32) {
    %c0_i32 = arith.constant 0 : i32
    %c0_i32_0 = arith.constant 0 : i32
    %c0_i32_1 = arith.constant 0 : i32
    return %c0_i32, %c0_i32_0 : i32, i32
  }
  func.func @transform_8(%arg0: i32) -> i32 {
    %c0_i32 = arith.constant 0 : i32
    %c0_i32_0 = arith.constant 0 : i32
    return %c0_i32 : i32
  }
  func.func @transform_9(%arg0: i32) -> i32 {
    %c0_i32 = arith.constant 0 : i32
    %c0_i32_0 = arith.constant 0 : i32
    return %c0_i32 : i32
  }
  func.func @transform_10(%arg0: i32) -> (i32, i32) {
    %c0_i32 = arith.constant 0 : i32
    %c0_i32_0 = arith.constant 0 : i32
    return %c0_i32, %arg0 : i32, i32
  }
}

</mosaic_0001>

<sc_bundles>
// kernel: kernel.4.cloned.1.call-start
scs
__scs_entry_jumppad:
0x0: {  	(pc) =	sbr.rel $0x88, $3  }
0x1: {  	(tag) =	ssettag $0x0;
	lr =	simm.s32 $0x1  }
0x2: {  	[smem:$0x3F94] =	sst lr;
	_ =	strace $0xD0000000  }
0x3: {  	_ = 	snop  }
0x4: {  	_ = 	snop  }
0x5: {  	_ = 	snop  }
0x6: {  	_ = 	snop  }
0x7: {  	_ = 	snop  }
__scs_overlays_trampoline_lowered:
0x8: {  	[smem:$0x3FA3] =	sst s0  }
0x9: {  	[smem:$0x3FA4] =	sst s1  }
0xa: {  	[smem:$0x3FA5] =	sst s2  }
0xb: {  	[smem:$0x3FA6] =	sst s3  }
0xc: {  	[smem:$0x3FA7] =	sst s4  }
0xd: {  	[smem:$0x3FA8] =	sst s5  }
0xe: {  	[smem:$0x3FA9] =	sst s6  }
0xf: {  	[smem:$0x3FAA] =	sst s7  }
0x10: {  	[smem:$0x3FAB] =	sst s8  }
0x11: {  	[smem:$0x3FAC] =	sst s9;
	s0 =	simm.s32 @!p0 $0x0  }
0x12: {  	s1 =	sld [smem:$0x3F92];
	s0 =	simm.s32 @p0 $0x1  }
0x13: {  	[smem:$0x3FAD] =	sst s0;
	s0 =	simm.s32 @!p1 $0x0  }
0x14: {  	s2 =	sld [smem:$0x3F91];
	s0 =	simm.s32 @p1 $0x1  }
0x15: {  	[smem:$0x3FAE] =	sst s0;
	s0 =	simm.s32 @!p2 $0x0  }
0x16: {  	s3 =	sld [smem:$0x3FDB];
	s0 =	simm.s32 @p2 $0x1  }
0x17: {  	s4 =	simm.s32 $0x1BF5;
	[smem:$0x3FB0] =	sst s0  }
0x18: {  	s0 =	sld [smem:$0x3F93];
	_ =	swait.ge [sflag:s4], $0x0  }
0x19: {  	s7 =	sld [smem:$0x3F94]  }
0x1a: {  	s8 =	sadd.s32 $0xFFFFE003, lr  }
0x1b: {  	s9 =	sadd.s32 $0xFFFFFEF7, lr;
	s5 =	simm.s32 $0xFFFFFFFF;
	p2 =	slt.u32 s8, $0xFFFFF086  }
0x1c: {  	p1 =	slt.u32 s9, $0xF7A;
	s5 =	simm.s32 @!p2 $0x0  }
0x1d: {  	s5 =	simm.s32 @p1 $0x1;
	p0 =	seq.s32 s7, s2  }
0x1e: {  	s7 =	smul.u32 @!p0 $0xF7A, s2;
	p2 =	seq.s32 @!p0 s5, $0x0  }
0x1f: {  	s9 =	smul.u32 $0xF7A, s1;
	s8 =	simm.s32 @!p0 $0x1BF5;
	p2 =	por !p2, p0  }
0x20: {  	[sflag:s8] =	ssyncset.s32 @!p0 $0xFFFFF086;
	s6 =	sadd.s32 @!p0 s3, s7;
	s7 =	simm.s32 @!p0 $0x108  }
0x21: {  	s3 =	sadd.s32 s3, s9;
	s6 =	sadd.s32 @!p0 $0x88, s6;
	s7 =	simm.s32 @p2 $0x1082  }
0x22: {  	[simem:s7], [sflag:s8] =	dma.local @!p0 [hbm:s6], $0xF7A  }
0x23: {  	s9 =	sor.u32 $0xD0000000, s2;
	s6 =	simm.s32 $0x108;
	_ =	swait.ge @!p0 [sflag:s8], $0x0  }
0x24: {  	s3 =	sadd.s32 $0x88, s3;
	s6 =	simm.s32 @!p1 $0x1082;
	[sflag:s4] =	ssyncset.s32 $0xFFFFF086  }
0x25: {  	[simem:s6], [sflag:s4] =	dma.local [hbm:s3], $0xF7A  }
0x26: {  	[smem:$0x3F94] =	sst s1;
	(tag) =	ssettag s2;
	_ =	strace s9  }
0x27: {  	s1 =	sld [smem:$0x3FA4]  }
0x28: {  	s2 =	sld [smem:$0x3FA5]  }
0x29: {  	s4 =	sld [smem:$0x3FA7]  }
0x2a: {  	p0 =	seq.s32 s5, $0x0;
	s5 =	sld [smem:$0x3FA8]  }
0x2b: {  	s6 =	sld [smem:$0x3FA9]  }
0x2c: {  	s7 =	sld [smem:$0x3FAA]  }
0x2d: {  	s3 =	simm.s32 $0x108;
	s8 =	sld [smem:$0x3FAB]  }
0x2e: {  	s3 =	simm.s32 @!p0 $0x1082;
	s9 =	sld [smem:$0x3FAC]  }
0x2f: {  	lr =	sadd.s32 s0, s3;
	s0 =	sld [smem:$0x3FA3]  }
0x30: {  	s3 =	sld [smem:$0x3FA6]  }
0x31: {  	[smem:$0x3FAF] =	sst s10  }
0x32: {  	s10 =	sld [smem:$0x3FAD];
	_ =	sdelay $0x3  }
0x33: {  	p0 =	seq.s32 s10, $0x1;
	s10 =	sld [smem:$0x3FAF];
	_ =	sdelay $0x3  }
0x34: {  	[smem:$0x3FAF] =	sst s10  }
0x35: {  	s10 =	sld [smem:$0x3FAE];
	_ =	sdelay $0x3  }
0x36: {  	p1 =	seq.s32 s10, $0x1;
	s10 =	sld [smem:$0x3FAF];
	_ =	sdelay $0x3  }
0x37: {  	[smem:$0x3FAF] =	sst s10  }
0x38: {  	s10 =	sld [smem:$0x3FB0]  }
0x39: {  	_ = 	snop;
	(pc) =	sbr.ind lr, $3  }
0x3a: {  	_ = 	snop  }
0x3b: {  	_ = 	snop  }
0x3c: {  	p2 =	seq.s32 s10, $0x1;
	s10 =	sld [smem:$0x3FAF]  }
0x3d: {  	_ =	shalt  }
0x3e: {  	_ =	shalt  }
0x3f: {  	_ =	shalt  }
0x40: {  	_ =	shalt  }
0x41: {  	_ =	shalt  }
0x42: {  	_ =	shalt  }
0x43: {  	_ =	shalt  }
0x44: {  	_ =	shalt  }
0x45: {  	_ =	shalt  }
0x46: {  	_ =	shalt  }
0x47: {  	_ =	shalt  }
0x48: {  	_ =	shalt  }
0x49: {  	_ =	shalt  }
0x4a: {  	_ =	shalt  }
0x4b: {  	_ =	shalt  }
0x4c: {  	_ =	shalt  }
0x4d: {  	_ =	shalt  }
0x4e: {  	_ =	shalt  }
0x4f: {  	_ =	shalt  }
0x50: {  	_ =	shalt  }
0x51: {  	_ =	shalt  }
0x52: {  	_ =	shalt  }
0x53: {  	_ =	shalt  }
0x54: {  	_ =	shalt  }
0x55: {  	_ =	shalt  }
0x56: {  	_ =	shalt  }
0x57: {  	_ =	shalt  }
0x58: {  	_ =	shalt  }
0x59: {  	_ =	shalt  }
0x5a: {  	_ =	shalt  }
0x5b: {  	_ =	shalt  }
0x5c: {  	_ =	shalt  }
0x5d: {  	_ =	shalt  }
0x5e: {  	_ =	shalt  }
0x5f: {  	_ =	shalt  }
0x60: {  	_ =	shalt  }
0x61: {  	_ =	shalt  }
0x62: {  	_ =	shalt  }
0x63: {  	_ =	shalt  }
0x64: {  	_ =	shalt  }
0x65: {  	_ =	shalt  }
0x66: {  	_ =	shalt  }
0x67: {  	_ =	shalt  }
0x68: {  	_ =	shalt  }
0x69: {  	_ =	shalt  }
0x6a: {  	_ =	shalt  }
0x6b: {  	_ =	shalt  }
0x6c: {  	_ =	shalt  }
0x6d: {  	_ =	shalt  }
0x6e: {  	_ =	shalt  }
0x6f: {  	_ =	shalt  }
0x70: {  	_ =	shalt  }
0x71: {  	_ =	shalt  }
0x72: {  	_ =	shalt  }
0x73: {  	_ =	shalt  }
0x74: {  	_ =	shalt  }
0x75: {  	_ =	shalt  }
0x76: {  	_ =	shalt  }
0x77: {  	_ =	shalt  }
0x78: {  	_ =	shalt  }
0x79: {  	_ =	shalt  }
0x7a: {  	_ =	shalt  }
0x7b: {  	_ =	shalt  }
0x7c: {  	_ =	shalt  }
0x7d: {  	_ =	shalt  }
0x7e: {  	_ =	shalt  }
0x7f: {  	_ =	shalt  }
0x80: {  	_ =	shalt  }
0x81: {  	_ =	shalt  }
0x82: {  	_ =	shalt  }
0x83: {  	_ =	shalt  }
0x84: {  	_ =	shalt  }
0x85: {  	_ =	shalt  }
0x86: {  	_ =	shalt  }
0x87: {  	_ =	shalt  }
.Lfunc_end0:
.L_simem_size_0:
called_computation_lowered:
.L_overlay_start_0:
0x88: {  	s2 =	sld [smem:$0x3FD9]  }
0x89: {  	s3 =	sld [smem:$0x3FFE];
	_ =	sdelay $0x1  }
0x8a: {  	s1 =	srdreg.scid  }
0x8b: {  	s0 =	sand.u32 $0x1, s1  }
0x8c: {  	s17 =	sshll.u32 s0, $0xA;
	s2 =	sadd.s32 s3, s2  }
0x8d: {  	s2 =	sadd.s32 s2, s17  }
0x8e: {  	[smem:$0x3FBB] =	sst s2  }
0x8f: {  	_ = 	snop  }
0x90: {  	s2 =	sld [smem:$0x3FC9]  }
0x91: {  	s18 =	sld [smem:$0x3FC6]  }
0x92: {  	s4 =	sld [smem:$0x3FC5];
	(tm) =	ssettm $0x1  }
0x93: {  	s5 =	sld [smem:$0x3FFB];
	_ =	sdelay $0x3  }
0x94: {  	_ =	strace s5  }
0x95: {  	s5 =	sld [smem:$0x3FFC];
	_ =	sdelay $0x3  }
0x96: {  	_ =	strace s5  }
0x97: {  	s5 =	sld [smem:$0x3FFD];
	_ =	sdelay $0x3  }
0x98: {  	_ =	strace s5  }
0x99: {  	_ =	strace $0x8FFFFFFF  }
0x9a: {  	s19 =	sld [smem:$0x3FDB];
	_ =	sdelay $0x1  }
0x9b: {  	s6 =	simm.s32 $_scs_section_size  }
0x9c: {  	s7 =	simm.s32 $_size__tile_overlayer_lowered;
	s8 =	simm.s32 $_tile_overlayer_lowered  }
0x9d: {  	s22 =	simm.s32 $0x1BFF;
	s21 =	sshll.u32 s8, $0x1;
	s5 =	sadd.s32 s6, s19  }
0x9e: {  	s9 =	simm.s32 $0x0;
	s20 =	sshll.u32 s7, $0x1;
	s7 =	sadd.s32 s21, s5  }
0x9f: {  	[timem:s9], [sflag:s22] =	dma.local [hbm:s7], s20  }
0xa0: {  	_ =	swait.ge [sflag:s22], s20  }
0xa1: {  	s6 =	ssub.s32 $0x0, s20;
	[sflag:s22] =	ssyncset.done $0x0  }
0xa2: {  	[sflag:s22] =	ssyncadd.s32 s6;
	_ =	sdelay $0x1  }
0xa3: {  	s23 =	simm.s32 $0x1B8B  }
0xa4: {  	_ =	swait.ge [sflag:s23], $0x1  }
0xa5: {  	[sflag:s23] =	ssyncset.done $0x0  }
0xa6: {  	s25 =	simm.s32 $0x1B8E;
	s24 =	sld [smem:$0x3FFE];
	[sflag:s23] =	ssyncadd.s32 $0xFFFFFFFF  }
0xa7: {  	s26 =	simm.s32 $execute0_lowered;
	[smem:$0x3FD2] =	sst s25  }
0xa8: {  	s7 =	sshll.u32 s26, $0x1;
	_ =	strace $0x80000046;
	[dreg:$0x1] =	wrdreg $0xFFFFFFFF  }
0xa9: {  	s28 =	simm.s32 $_size_execute0_lowered;
	s5 =	sadd.s32 s5, s7;
	[dreg:$0x0] =	wrdreg $0x0  }
0xaa: {  	s7 =	sshll.u32 s28, $0x1;
	[dreg:$0x2] =	wrdreg s5  }
0xab: {  	[dreg:$0x3] =	wrdreg s7  }
0xac: {  	[dreg:$0x4] =	wrdreg $0xC0  }
0xad: {  	_ =	task [dreg:s9], $0x5FFFF  }
0xae: {  	[dreg:$0x1] =	wrdreg $0xFFFFFFFF  }
0xaf: {  	[dreg:$0x0] =	wrdreg $0x60  }
0xb0: {  	[dreg:$0x2] =	wrdreg s2  }
0xb1: {  	[dreg:$0x3] =	wrdreg s24  }
0xb2: {  	[dreg:$0x4] =	wrdreg s18  }
0xb3: {  	[dreg:$0x5] =	wrdreg s4  }
0xb4: {  	[dreg:$0x6] =	wrdreg $0x9  }
0xb5: {  	_ =	task.clear_ibuf [dreg:s9], $0x7FFFF;
	_ =	strace $0x90000046  }
0xb6: {  	s29 =	simm.s32 $0x9;
	_ =	strace $0x80000048  }
0xb7: {  	_ =	swait.ge [sflag:s29], $0x1  }
0xb8: {  	[sflag:s29] =	ssyncadd.s32 $0xFFFFFFFF  }
0xb9: {  	_ =	strace $0x90000048  }
0xba: {  	_ =	sfence  }
0xbb: {  	s30 =	sld [smem:$0x0];
	_ =	sdelay $0x2  }
0xbc: {  	s31 =	sshll.u32 s1, $0xD;
	s1 =	sshrl.u32 s1, $0x2  }
0xbd: {  	s3 =	sand.u32 $0x4000, s31;
	s1 =	sadd.s32 s1, s30  }
0xbe: {  	s0 =	sor.u32 s3, s0;
	s1 =	sshll.u32 s1, $0x11  }
0xbf: {  	s0 =	sor.u32 s1, s0  }
0xc0: {  	s0 =	sadd.s32 $0x8F2B, s0  }
0xc1: {  	[sflag:s0] =	ssyncadd.remote.s32 $0x1  }
0xc2: {  	_ =	sfence.sel $0xFFFF  }
0xc3: {  	[dreg:$0x0] =	wrdreg $0xFFFFFFFF;
	(pc) =	sbr.abs _section_cstart, $3  }
0xc4: {  	[dreg:$0x1] =	wrdreg $0xFFFFFFFF  }
0xc5: {  	_ =	task.clear_ibuf [dreg:s9], $0x2FFFF;
	_ =	strace $0x9FFFFFFF  }
0xc6: {  	(tm) =	ssettm $0x7FFFFFFF  }
0xc7: {  	_ =	shalt  }
tec
execute0_lowered:
.L_overlay_start_1:
0x0: {  	(tag) =	ssettag $0x1  }
0x1: {  	s13 =	rddreg [dreg:$0x0]  }
0x2: {  	s2 =	rddreg [dreg:$0x1]  }
0x3: {  	s4 =	rddreg [dreg:$0x2];
	s0 =	srdreg.scid  }
0x4: {  	s12 =	stileid.u32;
	s1 =	rddreg [dreg:$0x3]  }
0x5: {  	s3 =	simm.s32 $0x0;
	s0 =	sand.u32 $0x1, s0;
	s5 =	sshll.u32 s12, $0x1  }
0x6: {  	s7 =	sshrl.u32 s12, $0x2;
	[smem:$0x7FF] =	sst s3;
	s23 =	sadd.s32 $0x10, s13  }
0x7: {  	s26 =	sadd.s32 $0x810, s13;
	s14 =	sadd.s32 $0x1010, s13;
	s16 =	sadd.s32 $0x1810, s13  }
0x8: {  	s21 =	sadd.s32 $0x800, s13;
	s22 =	sshrl.u32 s12, $0x3;
	p2 =	sgt.u32 s12, $0x7  }
0x9: {  	s28 =	sadd.s32 $0x20, s13;
	_ =	strace $0x80000047;
	[dreg:$0x5] =	wrdreg s23  }
0xa: {  	s29 =	sadd.s32 $0x820, s13;
	s30 =	sadd.s32 $0x1020, s13;
	[dreg:$0x7] =	wrdreg s26  }
0xb: {  	s31 =	sadd.s32 $0x1820, s13;
	s6 =	sor.u32 s0, s5;
	[dreg:$0x9] =	wrdreg s14  }
0xc: {  	s8 =	smul.u32 $0xC3800, s7;
	s5 =	sadd.s32 $0xFFFFFFF0, s5;
	[dreg:$0xb] =	wrdreg s16  }
0xd: {  	s9 =	ssub.s32 $0x2, s0;
	s7 =	sshll.u32 s7, $0x11;
	[dreg:$0xf] =	wrdreg s21  }
0xe: {  	s23 =	sshll.u32 s12, $0x7;
	p0 =	seq.s32 s0, $0x1;
	p1 =	seq.s32 s0, $0x0  }
0xf: {  	s0 =	simm.s32 $0x200;
	s14 =	simm.s32 $0x0;
	s6 =	sshll.u32 s6, $0x7  }
0x10: {  	s5 =	sshrl.u32 s5, $0x3;
	s11 =	sshrl.u32 s9, $0x1;
	s6 =	sand.u32 $0x380, s6  }
0x11: {  	s10 =	smul.u32 $0xC3800, s5;
	s9 =	ssub.s32 s9, s11;
	s5 =	sshll.u32 s5, $0x11  }
0x12: {  	s11 =	simm.s32 $0x3;
	s8 =	sor.u32 s8, s6;
	s5 =	sor.u32 s6, s5  }
0x13: {  	s19 =	sor.u32 s7, s6;
	s7 =	simm.s32 $0x19700;
	s8 =	sshrl.u32 s8, $0x3  }
0x14: {  	s10 =	sor.u32 s6, s10;
	s24 =	sadd.s32 $0x40000, s5;
	s25 =	sadd.s32 $0x48000, s5  }
0x15: {  	s17 =	sadd.s32 $0x50000, s5;
	s5 =	sadd.s32 $0x58000, s5;
	s6 =	simm.s32 $0x1  }
0x16: {  	s8 =	sadd.s32 s8, s2;
	s2 =	sadd.s32 $0x32400, s2;
	s10 =	sshrl.u32 s10, $0x3  }
0x17: {  	s5 =	sshrl.u32 s5, $0x3;
	s4 =	sadd.s32 s4, s10;
	s10 =	sshrl.u32 s25, $0x3  }
0x18: {  	s18 =	sadd.s32 s2, s5;
	s20 =	sadd.s32 $0x1600, s8;
	[dreg:$0x6] =	wrdreg s4  }
0x19: {  	s5 =	sand.u32 $0x380, s23;
	s25 =	sadd.s32 $0x1000, s13;
	[dreg:$0xd] =	wrdreg s18  }
0x1a: {  	s8 =	simm.s32 $0x1A700;
	s4 =	sshrl.u32 s24, $0x3;
	[dreg:$0xe] =	wrdreg s20  }
0x1b: {  	s15 =	sadd.s32 s2, s10;
	[dreg:$0x10] =	wrdreg s25;
	s4 =	sadd.s32 s2, s4  }
0x1c: {  	s24 =	smul.u32 $0xC3800, s22;
	[dreg:$0x8] =	wrdreg s4;
	s4 =	sshrl.u32 s17, $0x3  }
0x1d: {  	s18 =	sadd.s32 $0x1800, s13;
	s25 =	smax.u32 s9, $0x1;
	s4 =	sadd.s32 s2, s4  }
0x1e: {  	s9 =	simm.s32 $0x2;
	[dreg:$0xc] =	wrdreg s4;
	s4 =	sshrl.u32 s19, $0x3  }
0x1f: {  	s10 =	simm.s32 $0x1B700;
	[dreg:$0xa] =	wrdreg s15;
	s15 =	sadd.s32 s2, s4  }
0x20: {  	s13 =	simm.s32 $0x4;
	s4 =	sshll.u32 s22, $0x11;
	s26 =	sadd.s32 $0x1000, s15  }
0x21: {  	s4 =	sor.u32 s5, s4;
	s5 =	sor.u32 s5, s24;
	s19 =	sadd.s32 $0x2000, s15  }
.Ltmp0:
0x22: {  	[dreg:$0x11] =	wrdreg s26;
	s4 =	sshrl.u32 s4, $0x3;
	(pc) =	sbr.rel .LBB2_1-.Ltmp0, $4  }
0x23: {  	s5 =	sshrl.u32 s5, $0x3;
	s26 =	sadd.s32 $0x3000, s15;
	s2 =	sadd.s32 s4, s2  }
0x24: {  	s20 =	sadd.s32 s1, s5;
	s1 =	simm.s32 $0x18700;
	s4 =	simm.s32 $0x400  }
0x25: {  	s5 =	simm.s32 $0x5;
	s21 =	sadd.s32 $0x10000, s2;
	s22 =	sadd.s32 $0x11000, s2  }
0x26: {  	s23 =	sadd.s32 $0x12000, s2;
	s24 =	sadd.s32 $0x13000, s2;
	s2 =	simm.s32 $0x80  }
.LBB2_31:
0x27: {  	s14 =	sadd.s32 $0x1, s14  }
0x28: {  	p3 =	sne.s32 s14, s25  }
.Ltmp1:
0x29: {  	_ = 	snop;
	(pc) =	sbr.rel @!p3 .LBB2_32-.Ltmp1, $1  }
0x2a: {  	_ =	sdelay $0x3  }
.LBB2_1:
.Ltmp2:
0x2b: {  	(pc) =	sbr.rel @p2 .LBB2_11-.Ltmp2, $1  }
0x2c: {  	_ =	sdelay $0x3  }
0x2d: {  	s12 =	rddreg [dreg:$0x0]  }
0x2e: {  	[tilespmem:s1], [sflag:$0x1] =	stream.strided.gather [hbm4b:s12+s2], $0x1000, s0, s2, $0x38;
	[tilespmem:$0x1C700] =	vst v63  }
0x2f: {  	s17 =	simm.s32 $0x0;
	s16 =	rddreg [dreg:$0xe]  }
0x30: {  	[tilespmem:s17], [sflag:$0x5] =	stream.strided.gather [hbm4b:s16+s2], $0x18700, s4, s2, $0x38;
	[tilespmem:$0x1C700] =	vst v63  }
0x31: {  	_ =	swait.ge [sflag:s5], $0x18700  }
0x32: {  	[sflag:s5] =	ssyncset.done $0x0  }
0x33: {  	[sflag:s5] =	ssyncadd.s32 $0xFFFE7900  }
0x34: {  	_ =	swait.ge [sflag:s6], $0x1000  }
0x35: {  	[sflag:s6] =	ssyncset.done $0x0  }
0x36: {  	s12 =	simm.s32 $0x0;
	s17 =	rddreg [dreg:$0xf];
	[sflag:s6] =	ssyncadd.s32 $0xFFFFF000  }
0x37: {  	[tilespmem:s7], [sflag:$0x2] =	stream.strided.gather [hbm4b:s17+s2], $0x1000, s0, s2, $0x38;
	[tilespmem:$0x1C700] =	vst v63  }
0x38: {  	v0 =	vld [tilespmem:s12+$0x18700];
	_ =	sdelay $0x7  }
0x39: {  	s16 =	simm.s32 $0x10;
	s17 =	simm.s32 $0x80;
	v0 =	vld.idx.msk [tilespmem:v0+s3+$0x0], $0xffff  }
.LBB2_3:
0x3a: {  	p3 =	sne.s32 s17, $0x3FC0;
	v1 =	vld [tilespmem:s16+$0x18700];
	_ =	sdelay $0x3  }
.Ltmp3:
0x3b: {  	(pc) =	sbr.rel @p3 .LBB2_3-.Ltmp3, $2  }
0x3c: {  	[tilespmem:s12+$0x1A700] =	vst v0;
	s12 =	smov.u32 s16;
	_ =	sdelay $0x2  }
0x3d: {  	s16 =	sshra.s32 s17, $0x2;
	s17 =	sadd.s32 $0x40, s17;
	v0 =	vld.idx.msk [tilespmem:v1+s3+$0x0], $0xffff  }
0x3e: {  	v1 =	vld [tilespmem:s16+$0x18700];
	_ =	sdelay $0x6  }
0x3f: {  	[tilespmem:s12+$0x1A700] =	vst v0  }
0x40: {  	v0 =	vld.idx.msk [tilespmem:v1+s3+$0x0], $0xffff;
	_ =	sdelay $0x4  }
0x41: {  	[tilespmem:s16+$0x1A700] =	vst v0  }
0x42: {  	[hbm4b:s15+s2] =	stream.strided.scatter [tilespmem:s8], [sflag:$0x3], $0x1000, s4, s2, $0x38;
	[tilespmem:$0x1C700] =	vst v63  }
0x43: {  	_ =	swait.ge [sflag:s9], $0x1000  }
0x44: {  	[sflag:s9] =	ssyncset.done $0x0  }
0x45: {  	s12 =	simm.s32 $0x0;
	s17 =	rddreg [dreg:$0x10];
	[sflag:s9] =	ssyncadd.s32 $0xFFFFF000  }
0x46: {  	[tilespmem:s1], [sflag:$0x1] =	stream.strided.gather [hbm4b:s17+s2], $0x1000, s0, s2, $0x38;
	[tilespmem:$0x1C700] =	vst v63  }
0x47: {  	v0 =	vld [tilespmem:s12+$0x19700];
	_ =	sdelay $0x7  }
0x48: {  	s16 =	simm.s32 $0x10;
	s17 =	simm.s32 $0x80;
	v0 =	vld.idx.msk [tilespmem:v0+s3+$0x0], $0xffff  }
.LBB2_5:
0x49: {  	p3 =	sne.s32 s17, $0x3FC0;
	v1 =	vld [tilespmem:s16+$0x19700];
	_ =	sdelay $0x3  }
.Ltmp4:
0x4a: {  	(pc) =	sbr.rel @p3 .LBB2_5-.Ltmp4, $2  }
0x4b: {  	[tilespmem:s12+$0x1B700] =	vst v0;
	s12 =	smov.u32 s16;
	_ =	sdelay $0x2  }
0x4c: {  	s16 =	sshra.s32 s17, $0x2;
	s17 =	sadd.s32 $0x40, s17;
	v0 =	vld.idx.msk [tilespmem:v1+s3+$0x0], $0xffff  }
0x4d: {  	v1 =	vld [tilespmem:s16+$0x19700];
	_ =	sdelay $0x6  }
0x4e: {  	[tilespmem:s12+$0x1B700] =	vst v0  }
0x4f: {  	v0 =	vld.idx.msk [tilespmem:v1+s3+$0x0], $0xffff;
	_ =	sdelay $0x4  }
0x50: {  	s17 =	rddreg [dreg:$0x11];
	[tilespmem:s16+$0x1B700] =	vst v0  }
0x51: {  	[hbm4b:s17+s2] =	stream.strided.scatter [tilespmem:s10], [sflag:$0x4], $0x1000, s4, s2, $0x38;
	[tilespmem:$0x1C700] =	vst v63  }
0x52: {  	_ =	swait.ge [sflag:s6], $0x1000  }
0x53: {  	[sflag:s6] =	ssyncset.done $0x0  }
0x54: {  	[sflag:s6] =	ssyncadd.s32 $0xFFFFF000  }
0x55: {  	[tilespmem:s7], [sflag:$0x2] =	stream.strided.gather [hbm4b:s18+s2], $0x1000, s0, s2, $0x38;
	[tilespmem:$0x1C700] =	vst v63  }
0x56: {  	_ =	swait.ge [sflag:s11], $0x1000  }
0x57: {  	[sflag:s11] =	ssyncset.done $0x0  }
0x58: {  	s12 =	simm.s32 $0x0;
	[sflag:s11] =	ssyncadd.s32 $0xFFFFF000  }
0x59: {  	v0 =	vld [tilespmem:s12+$0x18700];
	_ =	sdelay $0x7  }
0x5a: {  	s16 =	simm.s32 $0x10;
	s17 =	simm.s32 $0x80;
	v0 =	vld.idx.msk [tilespmem:v0+s3+$0x0], $0xffff  }
.LBB2_7:
0x5b: {  	p3 =	sne.s32 s17, $0x3FC0;
	v1 =	vld [tilespmem:s16+$0x18700];
	_ =	sdelay $0x3  }
.Ltmp5:
0x5c: {  	(pc) =	sbr.rel @p3 .LBB2_7-.Ltmp5, $2  }
0x5d: {  	[tilespmem:s12+$0x1A700] =	vst v0;
	s12 =	smov.u32 s16;
	_ =	sdelay $0x2  }
0x5e: {  	s16 =	sshra.s32 s17, $0x2;
	s17 =	sadd.s32 $0x40, s17;
	v0 =	vld.idx.msk [tilespmem:v1+s3+$0x0], $0xffff  }
0x5f: {  	v1 =	vld [tilespmem:s16+$0x18700];
	_ =	sdelay $0x6  }
0x60: {  	[tilespmem:s12+$0x1A700] =	vst v0  }
0x61: {  	v0 =	vld.idx.msk [tilespmem:v1+s3+$0x0], $0xffff;
	_ =	sdelay $0x4  }
0x62: {  	[tilespmem:s16+$0x1A700] =	vst v0  }
0x63: {  	[hbm4b:s19+s2] =	stream.strided.scatter [tilespmem:s8], [sflag:$0x3], $0x1000, s4, s2, $0x38;
	[tilespmem:$0x1C700] =	vst v63  }
0x64: {  	_ =	swait.ge [sflag:s9], $0x1000  }
0x65: {  	[sflag:s9] =	ssyncset.done $0x0  }
0x66: {  	[sflag:s9] =	ssyncadd.s32 $0xFFFFF000  }
0x67: {  	_ =	swait.ge [sflag:s13], $0x1000  }
0x68: {  	[sflag:s13] =	ssyncset.done $0x0  }
0x69: {  	s12 =	simm.s32 $0x0;
	[sflag:s13] =	ssyncadd.s32 $0xFFFFF000  }
0x6a: {  	v0 =	vld [tilespmem:s12+$0x19700];
	_ =	sdelay $0x7  }
0x6b: {  	s17 =	simm.s32 $0x80;
	s16 =	simm.s32 $0x10;
	v0 =	vld.idx.msk [tilespmem:v0+s3+$0x0], $0xffff  }
.LBB2_9:
0x6c: {  	p3 =	seq.s32 s17, $0x3FC0;
	v1 =	vld [tilespmem:s16+$0x19700];
	_ =	sdelay $0x3  }
.Ltmp6:
0x6d: {  	(pc) =	sbr.rel @!p3 .LBB2_9-.Ltmp6, $2  }
0x6e: {  	[tilespmem:s12+$0x1B700] =	vst v0;
	s12 =	smov.u32 s16;
	_ =	sdelay $0x2  }
0x6f: {  	s16 =	sshra.s32 s17, $0x2;
	s17 =	sadd.s32 $0x40, s17;
	v0 =	vld.idx.msk [tilespmem:v1+s3+$0x0], $0xffff  }
0x70: {  	v1 =	vld [tilespmem:s16+$0x19700];
	_ =	sdelay $0x6  }
0x71: {  	[tilespmem:s12+$0x1B700] =	vst v0  }
0x72: {  	v0 =	vld.idx.msk [tilespmem:v1+s3+$0x0], $0xffff  }
.Ltmp7:
0x73: {  	_ = 	snop;
	(pc) =	sbr.rel .LBB2_20-.Ltmp7, $2  }
0x74: {  	_ =	sdelay $0x2  }
0x75: {  	s12 =	smov.u32 s26;
	[tilespmem:s16+$0x1B700] =	vst v0  }
.LBB2_11:
0x76: {  	s12 =	rddreg [dreg:$0x5]  }
0x77: {  	[tilespmem:s1], [sflag:$0x1] =	stream.strided.gather [hbm4b:s12+s2], $0x1000, s0, s2, $0x38;
	[tilespmem:$0x1C700] =	vst v63  }
0x78: {  	s17 =	simm.s32 $0x0;
	s16 =	rddreg [dreg:$0x6]  }
0x79: {  	[tilespmem:s17], [sflag:$0x5] =	stream.strided.gather [hbm4b:s16+s2], $0x18700, s4, s2, $0x38;
	[tilespmem:$0x1C700] =	vst v63  }
0x7a: {  	_ =	swait.ge [sflag:s5], $0x18700  }
0x7b: {  	[sflag:s5] =	ssyncset.done $0x0  }
0x7c: {  	[sflag:s5] =	ssyncadd.s32 $0xFFFE7900  }
0x7d: {  	_ =	swait.ge [sflag:s6], $0x1000  }
0x7e: {  	[sflag:s6] =	ssyncset.done $0x0  }
0x7f: {  	s12 =	simm.s32 $0x0;
	s17 =	rddreg [dreg:$0x7];
	[sflag:s6] =	ssyncadd.s32 $0xFFFFF000  }
0x80: {  	[tilespmem:s7], [sflag:$0x2] =	stream.strided.gather [hbm4b:s17+s2], $0x1000, s0, s2, $0x38;
	[tilespmem:$0x1C700] =	vst v63  }
0x81: {  	v0 =	vld [tilespmem:s12+$0x18700];
	_ =	sdelay $0x7  }
0x82: {  	s16 =	simm.s32 $0x10;
	s17 =	simm.s32 $0x80;
	v0 =	vld.idx.msk [tilespmem:v0+s3+$0x0], $0xffff  }
.LBB2_12:
0x83: {  	p3 =	sne.s32 s17, $0x3FC0;
	v1 =	vld [tilespmem:s16+$0x18700];
	_ =	sdelay $0x3  }
.Ltmp8:
0x84: {  	(pc) =	sbr.rel @p3 .LBB2_12-.Ltmp8, $2  }
0x85: {  	[tilespmem:s12+$0x1A700] =	vst v0;
	s12 =	smov.u32 s16;
	_ =	sdelay $0x2  }
0x86: {  	s16 =	sshra.s32 s17, $0x2;
	s17 =	sadd.s32 $0x40, s17;
	v0 =	vld.idx.msk [tilespmem:v1+s3+$0x0], $0xffff  }
0x87: {  	v1 =	vld [tilespmem:s16+$0x18700];
	_ =	sdelay $0x6  }
0x88: {  	[tilespmem:s12+$0x1A700] =	vst v0  }
0x89: {  	v0 =	vld.idx.msk [tilespmem:v1+s3+$0x0], $0xffff;
	_ =	sdelay $0x4  }
0x8a: {  	[tilespmem:s16+$0x1A700] =	vst v0;
	s16 =	rddreg [dreg:$0x8]  }
0x8b: {  	[hbm4b:s16+s2] =	stream.strided.scatter [tilespmem:s8], [sflag:$0x3], $0x1000, s4, s2, $0x38;
	[tilespmem:$0x1C700] =	vst v63  }
0x8c: {  	_ =	swait.ge [sflag:s9], $0x1000  }
0x8d: {  	[sflag:s9] =	ssyncset.done $0x0  }
0x8e: {  	s12 =	simm.s32 $0x0;
	s17 =	rddreg [dreg:$0x9];
	[sflag:s9] =	ssyncadd.s32 $0xFFFFF000  }
0x8f: {  	[tilespmem:s1], [sflag:$0x1] =	stream.strided.gather [hbm4b:s17+s2], $0x1000, s0, s2, $0x38;
	[tilespmem:$0x1C700] =	vst v63  }
0x90: {  	v0 =	vld [tilespmem:s12+$0x19700];
	_ =	sdelay $0x7  }
0x91: {  	s16 =	simm.s32 $0x10;
	s17 =	simm.s32 $0x80;
	v0 =	vld.idx.msk [tilespmem:v0+s3+$0x0], $0xffff  }
.LBB2_14:
0x92: {  	p3 =	sne.s32 s17, $0x3FC0;
	v1 =	vld [tilespmem:s16+$0x19700];
	_ =	sdelay $0x3  }
.Ltmp9:
0x93: {  	(pc) =	sbr.rel @p3 .LBB2_14-.Ltmp9, $2  }
0x94: {  	[tilespmem:s12+$0x1B700] =	vst v0;
	s12 =	smov.u32 s16;
	_ =	sdelay $0x2  }
0x95: {  	s16 =	sshra.s32 s17, $0x2;
	s17 =	sadd.s32 $0x40, s17;
	v0 =	vld.idx.msk [tilespmem:v1+s3+$0x0], $0xffff  }
0x96: {  	v1 =	vld [tilespmem:s16+$0x19700];
	_ =	sdelay $0x6  }
0x97: {  	[tilespmem:s12+$0x1B700] =	vst v0  }
0x98: {  	v0 =	vld.idx.msk [tilespmem:v1+s3+$0x0], $0xffff;
	_ =	sdelay $0x4  }
0x99: {  	[tilespmem:s16+$0x1B700] =	vst v0;
	s16 =	rddreg [dreg:$0xa]  }
0x9a: {  	[hbm4b:s16+s2] =	stream.strided.scatter [tilespmem:s10], [sflag:$0x4], $0x1000, s4, s2, $0x38;
	[tilespmem:$0x1C700] =	vst v63  }
0x9b: {  	_ =	swait.ge [sflag:s6], $0x1000  }
0x9c: {  	[sflag:s6] =	ssyncset.done $0x0  }
0x9d: {  	s17 =	rddreg [dreg:$0xb];
	[sflag:s6] =	ssyncadd.s32 $0xFFFFF000  }
0x9e: {  	[tilespmem:s7], [sflag:$0x2] =	stream.strided.gather [hbm4b:s17+s2], $0x1000, s0, s2, $0x38;
	[tilespmem:$0x1C700] =	vst v63  }
0x9f: {  	_ =	swait.ge [sflag:s11], $0x1000  }
0xa0: {  	[sflag:s11] =	ssyncset.done $0x0  }
0xa1: {  	s12 =	simm.s32 $0x0;
	[sflag:s11] =	ssyncadd.s32 $0xFFFFF000  }
0xa2: {  	v0 =	vld [tilespmem:s12+$0x18700];
	_ =	sdelay $0x7  }
0xa3: {  	s16 =	simm.s32 $0x10;
	s17 =	simm.s32 $0x80;
	v0 =	vld.idx.msk [tilespmem:v0+s3+$0x0], $0xffff  }
.LBB2_16:
0xa4: {  	p3 =	sne.s32 s17, $0x3FC0;
	v1 =	vld [tilespmem:s16+$0x18700];
	_ =	sdelay $0x3  }
.Ltmp10:
0xa5: {  	(pc) =	sbr.rel @p3 .LBB2_16-.Ltmp10, $2  }
0xa6: {  	[tilespmem:s12+$0x1A700] =	vst v0;
	s12 =	smov.u32 s16;
	_ =	sdelay $0x2  }
0xa7: {  	s16 =	sshra.s32 s17, $0x2;
	s17 =	sadd.s32 $0x40, s17;
	v0 =	vld.idx.msk [tilespmem:v1+s3+$0x0], $0xffff  }
0xa8: {  	v1 =	vld [tilespmem:s16+$0x18700];
	_ =	sdelay $0x6  }
0xa9: {  	[tilespmem:s12+$0x1A700] =	vst v0  }
0xaa: {  	v0 =	vld.idx.msk [tilespmem:v1+s3+$0x0], $0xffff;
	_ =	sdelay $0x4  }
0xab: {  	s17 =	rddreg [dreg:$0xc];
	[tilespmem:s16+$0x1A700] =	vst v0  }
0xac: {  	[hbm4b:s17+s2] =	stream.strided.scatter [tilespmem:s8], [sflag:$0x3], $0x1000, s4, s2, $0x38;
	[tilespmem:$0x1C700] =	vst v63  }
0xad: {  	_ =	swait.ge [sflag:s9], $0x1000  }
0xae: {  	[sflag:s9] =	ssyncset.done $0x0  }
0xaf: {  	[sflag:s9] =	ssyncadd.s32 $0xFFFFF000  }
0xb0: {  	_ =	swait.ge [sflag:s13], $0x1000  }
0xb1: {  	[sflag:s13] =	ssyncset.done $0x0  }
0xb2: {  	s12 =	simm.s32 $0x0;
	[sflag:s13] =	ssyncadd.s32 $0xFFFFF000  }
0xb3: {  	v0 =	vld [tilespmem:s12+$0x19700];
	_ =	sdelay $0x7  }
0xb4: {  	s16 =	simm.s32 $0x10;
	s17 =	simm.s32 $0x80;
	v0 =	vld.idx.msk [tilespmem:v0+s3+$0x0], $0xffff  }
.LBB2_18:
0xb5: {  	p3 =	sne.s32 s17, $0x3FC0;
	v1 =	vld [tilespmem:s16+$0x19700];
	_ =	sdelay $0x3  }
.Ltmp11:
0xb6: {  	(pc) =	sbr.rel @p3 .LBB2_18-.Ltmp11, $2  }
0xb7: {  	[tilespmem:s12+$0x1B700] =	vst v0;
	s12 =	smov.u32 s16;
	_ =	sdelay $0x2  }
0xb8: {  	s16 =	sshra.s32 s17, $0x2;
	s17 =	sadd.s32 $0x40, s17;
	v0 =	vld.idx.msk [tilespmem:v1+s3+$0x0], $0xffff  }
0xb9: {  	v1 =	vld [tilespmem:s16+$0x19700];
	_ =	sdelay $0x6  }
0xba: {  	[tilespmem:s12+$0x1B700] =	vst v0  }
0xbb: {  	v0 =	vld.idx.msk [tilespmem:v1+s3+$0x0], $0xffff;
	_ =	sdelay $0x4  }
0xbc: {  	s12 =	rddreg [dreg:$0xd];
	[tilespmem:s16+$0x1B700] =	vst v0  }
.LBB2_20:
0xbd: {  	[hbm4b:s12+s2] =	stream.strided.scatter [tilespmem:s10], [sflag:$0x4], $0x1000, s4, s2, $0x38;
	[tilespmem:$0x1C700] =	vst v63  }
0xbe: {  	_ =	swait.ge [sflag:s11], $0x1000  }
.Ltmp12:
0xbf: {  	[sflag:s11] =	ssyncset.done $0x0;
	(pc) =	sbr.rel @p0 .LBB2_26-.Ltmp12, $4  }
0xc0: {  	[sflag:s11] =	ssyncadd.s32 $0xFFFFF000  }
0xc1: {  	_ =	swait.ge [sflag:s13], $0x1000  }
0xc2: {  	[sflag:s13] =	ssyncset.done $0x0  }
0xc3: {  	[sflag:s13] =	ssyncadd.s32 $0xFFFFF000  }
0xc4: {  	[tilespmem:s1], [sflag:$0x1] =	stream.strided.gather [hbm4b:s28+s2], $0x1000, s0, s2, $0x38;
	[tilespmem:$0x1C700] =	vst v63  }
0xc5: {  	s12 =	simm.s32 $0x0  }
0xc6: {  	[tilespmem:s12], [sflag:$0x5] =	stream.strided.gather [hbm4b:s20+s2], $0x18700, s4, s2, $0x38;
	[tilespmem:$0x1C700] =	vst v63  }
0xc7: {  	_ =	swait.ge [sflag:s5], $0x18700  }
0xc8: {  	[sflag:s5] =	ssyncset.done $0x0  }
0xc9: {  	[sflag:s5] =	ssyncadd.s32 $0xFFFE7900  }
0xca: {  	_ =	swait.ge [sflag:s6], $0x1000  }
0xcb: {  	[sflag:s6] =	ssyncset.done $0x0  }
0xcc: {  	s12 =	simm.s32 $0x0;
	[sflag:s6] =	ssyncadd.s32 $0xFFFFF000  }
0xcd: {  	[tilespmem:s7], [sflag:$0x2] =	stream.strided.gather [hbm4b:s29+s2], $0x1000, s0, s2, $0x38;
	[tilespmem:$0x1C700] =	vst v63  }
0xce: {  	v0 =	vld [tilespmem:s12+$0x18700];
	_ =	sdelay $0x7  }
0xcf: {  	s16 =	simm.s32 $0x10;
	s17 =	simm.s32 $0x80;
	v0 =	vld.idx.msk [tilespmem:v0+s3+$0x0], $0xffff  }
.LBB2_22:
0xd0: {  	p3 =	sne.s32 s17, $0x3FC0;
	v1 =	vld [tilespmem:s16+$0x18700];
	_ =	sdelay $0x3  }
.Ltmp13:
0xd1: {  	(pc) =	sbr.rel @p3 .LBB2_22-.Ltmp13, $2  }
0xd2: {  	[tilespmem:s12+$0x1A700] =	vst v0;
	s12 =	smov.u32 s16;
	_ =	sdelay $0x2  }
0xd3: {  	s16 =	sshra.s32 s17, $0x2;
	s17 =	sadd.s32 $0x40, s17;
	v0 =	vld.idx.msk [tilespmem:v1+s3+$0x0], $0xffff  }
0xd4: {  	v1 =	vld [tilespmem:s16+$0x18700];
	_ =	sdelay $0x6  }
0xd5: {  	[tilespmem:s12+$0x1A700] =	vst v0  }
0xd6: {  	v0 =	vld.idx.msk [tilespmem:v1+s3+$0x0], $0xffff;
	_ =	sdelay $0x4  }
0xd7: {  	[tilespmem:s16+$0x1A700] =	vst v0  }
0xd8: {  	[hbm4b:s21+s2] =	stream.strided.scatter [tilespmem:s8], [sflag:$0x3], $0x1000, s4, s2, $0x38;
	[tilespmem:$0x1C700] =	vst v63  }
0xd9: {  	_ =	swait.ge [sflag:s9], $0x1000  }
0xda: {  	[sflag:s9] =	ssyncset.done $0x0  }
0xdb: {  	s12 =	simm.s32 $0x0;
	[sflag:s9] =	ssyncadd.s32 $0xFFFFF000  }
0xdc: {  	v0 =	vld [tilespmem:s12+$0x19700];
	_ =	sdelay $0x7  }
0xdd: {  	s17 =	simm.s32 $0x80;
	s16 =	simm.s32 $0x10;
	v0 =	vld.idx.msk [tilespmem:v0+s3+$0x0], $0xffff  }
.LBB2_24:
0xde: {  	p3 =	sne.s32 s17, $0x3FC0;
	v1 =	vld [tilespmem:s16+$0x19700];
	_ =	sdelay $0x3  }
.Ltmp14:
0xdf: {  	(pc) =	sbr.rel @p3 .LBB2_24-.Ltmp14, $2  }
0xe0: {  	[tilespmem:s12+$0x1B700] =	vst v0;
	s12 =	smov.u32 s16;
	_ =	sdelay $0x2  }
0xe1: {  	s16 =	sshra.s32 s17, $0x2;
	s17 =	sadd.s32 $0x40, s17;
	v0 =	vld.idx.msk [tilespmem:v1+s3+$0x0], $0xffff  }
0xe2: {  	v1 =	vld [tilespmem:s16+$0x19700];
	_ =	sdelay $0x6  }
0xe3: {  	[tilespmem:s12+$0x1B700] =	vst v0  }
0xe4: {  	v0 =	vld.idx.msk [tilespmem:v1+s3+$0x0], $0xffff;
	_ =	sdelay $0x4  }
0xe5: {  	[tilespmem:s16+$0x1B700] =	vst v0  }
0xe6: {  	[hbm4b:s22+s2] =	stream.strided.scatter [tilespmem:s10], [sflag:$0x4], $0x1000, s4, s2, $0x38;
	[tilespmem:$0x1C700] =	vst v63  }
0xe7: {  	_ =	swait.ge [sflag:s11], $0x1000  }
.Ltmp15:
0xe8: {  	[sflag:s11] =	ssyncset.done $0x0;
	(pc) =	sbr.rel @p1 .LBB2_31-.Ltmp15, $4  }
0xe9: {  	[sflag:s11] =	ssyncadd.s32 $0xFFFFF000  }
0xea: {  	_ =	swait.ge [sflag:s13], $0x1000  }
0xeb: {  	[sflag:s13] =	ssyncset.done $0x0  }
0xec: {  	[sflag:s13] =	ssyncadd.s32 $0xFFFFF000  }
.LBB2_26:
0xed: {  	[tilespmem:s1], [sflag:$0x1] =	stream.strided.gather [hbm4b:s30+s2], $0x1000, s0, s2, $0x38;
	[tilespmem:$0x1C700] =	vst v63  }
0xee: {  	s12 =	simm.s32 $0x0  }
0xef: {  	[tilespmem:s12], [sflag:$0x5] =	stream.strided.gather [hbm4b:s20+s2], $0x18700, s4, s2, $0x38;
	[tilespmem:$0x1C700] =	vst v63  }
0xf0: {  	_ =	swait.ge [sflag:s5], $0x18700  }
0xf1: {  	[sflag:s5] =	ssyncset.done $0x0  }
0xf2: {  	[sflag:s5] =	ssyncadd.s32 $0xFFFE7900  }
0xf3: {  	_ =	swait.ge [sflag:s6], $0x1000  }
0xf4: {  	[sflag:s6] =	ssyncset.done $0x0  }
0xf5: {  	s12 =	simm.s32 $0x0;
	[sflag:s6] =	ssyncadd.s32 $0xFFFFF000  }
0xf6: {  	[tilespmem:s7], [sflag:$0x2] =	stream.strided.gather [hbm4b:s31+s2], $0x1000, s0, s2, $0x38;
	[tilespmem:$0x1C700] =	vst v63  }
0xf7: {  	v0 =	vld [tilespmem:s12+$0x18700];
	_ =	sdelay $0x7  }
0xf8: {  	s16 =	simm.s32 $0x10;
	s17 =	simm.s32 $0x80;
	v0 =	vld.idx.msk [tilespmem:v0+s3+$0x0], $0xffff  }
.LBB2_27:
0xf9: {  	p3 =	sne.s32 s17, $0x3FC0;
	v1 =	vld [tilespmem:s16+$0x18700];
	_ =	sdelay $0x3  }
.Ltmp16:
0xfa: {  	(pc) =	sbr.rel @p3 .LBB2_27-.Ltmp16, $2  }
0xfb: {  	[tilespmem:s12+$0x1A700] =	vst v0;
	s12 =	smov.u32 s16;
	_ =	sdelay $0x2  }
0xfc: {  	s16 =	sshra.s32 s17, $0x2;
	s17 =	sadd.s32 $0x40, s17;
	v0 =	vld.idx.msk [tilespmem:v1+s3+$0x0], $0xffff  }
0xfd: {  	v1 =	vld [tilespmem:s16+$0x18700];
	_ =	sdelay $0x6  }
0xfe: {  	[tilespmem:s12+$0x1A700] =	vst v0  }
0xff: {  	v0 =	vld.idx.msk [tilespmem:v1+s3+$0x0], $0xffff;
	_ =	sdelay $0x4  }
0x100: {  	[tilespmem:s16+$0x1A700] =	vst v0  }
0x101: {  	[hbm4b:s23+s2] =	stream.strided.scatter [tilespmem:s8], [sflag:$0x3], $0x1000, s4, s2, $0x38;
	[tilespmem:$0x1C700] =	vst v63  }
0x102: {  	_ =	swait.ge [sflag:s9], $0x1000  }
0x103: {  	[sflag:s9] =	ssyncset.done $0x0  }
0x104: {  	s12 =	simm.s32 $0x0;
	[sflag:s9] =	ssyncadd.s32 $0xFFFFF000  }
0x105: {  	v0 =	vld [tilespmem:s12+$0x19700];
	_ =	sdelay $0x7  }
0x106: {  	s17 =	simm.s32 $0x80;
	s16 =	simm.s32 $0x10;
	v0 =	vld.idx.msk [tilespmem:v0+s3+$0x0], $0xffff  }
.LBB2_29:
0x107: {  	p3 =	sne.s32 s17, $0x3FC0;
	v1 =	vld [tilespmem:s16+$0x19700];
	_ =	sdelay $0x3  }
.Ltmp17:
0x108: {  	(pc) =	sbr.rel @p3 .LBB2_29-.Ltmp17, $2  }
0x109: {  	[tilespmem:s12+$0x1B700] =	vst v0;
	s12 =	smov.u32 s16;
	_ =	sdelay $0x2  }
0x10a: {  	s16 =	sshra.s32 s17, $0x2;
	s17 =	sadd.s32 $0x40, s17;
	v0 =	vld.idx.msk [tilespmem:v1+s3+$0x0], $0xffff  }
0x10b: {  	v1 =	vld [tilespmem:s16+$0x19700];
	_ =	sdelay $0x6  }
0x10c: {  	[tilespmem:s12+$0x1B700] =	vst v0  }
0x10d: {  	v0 =	vld.idx.msk [tilespmem:v1+s3+$0x0], $0xffff;
	_ =	sdelay $0x4  }
0x10e: {  	[tilespmem:s16+$0x1B700] =	vst v0  }
0x10f: {  	[hbm4b:s24+s2] =	stream.strided.scatter [tilespmem:s10], [sflag:$0x4], $0x1000, s4, s2, $0x38;
	[tilespmem:$0x1C700] =	vst v63  }
0x110: {  	_ =	swait.ge [sflag:s11], $0x1000  }
.Ltmp18:
0x111: {  	[sflag:s11] =	ssyncset.done $0x0;
	(pc) =	sbr.rel .LBB2_31-.Ltmp18, $4  }
0x112: {  	[sflag:s11] =	ssyncadd.s32 $0xFFFFF000  }
0x113: {  	_ =	swait.ge [sflag:s13], $0x1000  }
0x114: {  	[sflag:s13] =	ssyncset.done $0x0  }
0x115: {  	[sflag:s13] =	ssyncadd.s32 $0xFFFFF000  }
.LBB2_32:
0x116: {  	_ =	sfence.sel $0x180000  }
0x117: {  	[bflag:$0x0] =	sbarrier.arrive $0xFFFF  }
0x118: {  	_ =	strace $0x90000047  }
0x119: {  	s0 =	stileid.u32;
	[bflag:$0x2] =	sbarrier.arrive $0xFFFF  }
0x11a: {  	p0 =	sne.s32 s0, $0x0;
	s0 =	rddreg [dreg:$0x4]  }
0x11b: {  	s0 =	sadd.s32 @!p0 $0x100000, s0  }
0x11c: {  	[sflag:s0] =	ssyncadd.tile.s32 @!p0 $0x1;
	_ =	shalt  }
.Lfunc_end2:
_tile_overlayer_lowered:
.L_overlay_start_2:
0x11d: {  	(tag) =	ssettag $0x2  }
0x11e: {  	s0 =	rddreg [dreg:$0x0];
	s2 =	stileid.u32  }
0x11f: {  	s1 =	rddreg [dreg:$0x1];
	p0 =	sne.s32 s2, $0x0  }
0x120: {  	s3 =	rddreg [dreg:$0x2];
	[bflag:$0x3] =	sbarrier.arrive $0xFFFF;
	s2 =	simm.s32 @!p0 $0x1C05  }
0x121: {  	[timem:s3], [sflag:s2] =	dma.local @!p0 [hbm:s0], s1  }
0x122: {  	s0 =	simm.s32 @!p0 $0x5  }
0x123: {  	_ =	swait.ge @!p0 [sflag:s0], s1  }
0x124: {  	s1 =	ssub.s32 @!p0 $0x0, s1;
	[sflag:s0] =	ssyncset.done @!p0 $0x0  }
0x125: {  	[sflag:s0] =	ssyncadd.s32 @!p0 s1  }
0x126: {  	[bflag:$0x3] =	sbarrier.arrive $0xFFFF  }
0x127: {  	_ =	shalt  }

</sc_bundles>
